<compile_context>
chip_gen: v7x
topology: tpu7x:2x2x1
jax: 0.10.2.dev20260603
libtpu: 0.0.44.dev20260713+nightly
codegen_flags: <defaults>
</compile_context>

<pallas_src>
import functools

import jax
import jax.numpy as jnp
from jax import lax
from jax.experimental import pallas as pl
from jax.experimental.pallas import tpu as pltpu
from jax.experimental.pallas import tpu_sc as plsc

_NX = 512
_NY = 512
_C = 64
_N = 30000
_P = _NX * _NY
_NP = 32768
_VPT = 1024
_HVPT = 512
_TR = _P + 16
_SEG = 16512
_OCC = 16 * _SEG

_mesh = plsc.VectorSubcoreMesh(core_axis_name="c", subcore_axis_name="s")


@functools.partial(
    pl.kernel,
    mesh=_mesh,
    out_type=[
        jax.ShapeDtypeStruct((_TR, 128), jnp.float32),
        jax.ShapeDtypeStruct((_OCC,), jnp.float32),
        jax.ShapeDtypeStruct((_OCC,), jnp.float32),
    ],
    scratch_types=[
        pltpu.VMEM((_HVPT, 128), jnp.float32),
        pltpu.VMEM((_VPT,), jnp.int32),
        pltpu.VMEM((_VPT,), jnp.int32),
        pltpu.VMEM((8, 128), jnp.int32),
        pltpu.VMEM((128,), jnp.float32),
        pltpu.VMEM((_SEG,), jnp.float32),
        pltpu.VMEM_SHARED((_OCC,), jnp.float32),
        pltpu.SemaphoreType.DMA,
        pltpu.SemaphoreType.DMA,
    ],
)
def _scatter_sc(vf_hbm, yc_hbm, xc_hbm, tcv_hbm, occ0_hbm, occ1_hbm,
                vf_v, y_v, x_v, idx_v, ones_v, zseg_v, occ_sh, sem, sem_occ):
    c = lax.axis_index("c")
    s = lax.axis_index("s")
    wid = c * 16 + s
    v0 = wid * _VPT

    def _fill_zero(i, carry):
        zseg_v[pl.ds(i * 16, 16)] = jnp.zeros((16,), jnp.float32)
        return carry

    lax.fori_loop(0, _SEG // 16, _fill_zero, 0)
    for i in range(8):
        ones_v[pl.ds(i * 16, 16)] = jnp.full((16,), 1.0, jnp.float32)

    pltpu.sync_copy(yc_hbm.at[pl.ds(v0, _VPT)], y_v)
    pltpu.sync_copy(xc_hbm.at[pl.ds(v0, _VPT)], x_v)

    for j in range(_VPT // 16):
        y = y_v[pl.ds(j * 16, 16)]
        x = x_v[pl.ds(j * 16, 16)]
        idx_v[j // 8, pl.ds((j % 8) * 16, 16)] = y * _NX + x

    pltpu.sync_copy(zseg_v, occ_sh.at[pl.ds(s * _SEG, _SEG)])
    plsc.subcore_barrier()

    occ_descs = [
        pltpu.async_copy(ones_v, occ_sh.at[idx_v.at[j]], sem_occ)
        for j in range(8)
    ]

    for h in range(2):
        pltpu.sync_copy(vf_hbm.at[pl.ds(v0 + h * _HVPT, _HVPT), :], vf_v)
        descs = [
            pltpu.async_copy(vf_v.at[pl.ds(j * 128, 128), :],
                             tcv_hbm.at[idx_v.at[4 * h + j]], sem)
            for j in range(4)
        ]
        for d in descs:
            d.wait()

    for d in occ_descs:
        d.wait()
    plsc.subcore_barrier()

    pltpu.sync_copy(occ_sh.at[pl.ds(s * _SEG, _SEG)], zseg_v)

    @pl.when(c == 0)
    def _exp0():
        pltpu.sync_copy(zseg_v, occ0_hbm.at[pl.ds(s * _SEG, _SEG)])

    @pl.when(c == 1)
    def _exp1():
        pltpu.sync_copy(zseg_v, occ1_hbm.at[pl.ds(s * _SEG, _SEG)])


def _tc_body(t_ref, o0_ref, o1_ref, out_ref):
    m = (o0_ref[...] + o1_ref[...]) != 0.0
    out_ref[...] = jnp.where(m, t_ref[:, :_C].T, 0.0)


def _transpose_tc(tcv, occ0, occ1):
    blk = 2048
    return pl.pallas_call(
        _tc_body,
        grid=(_P // blk,),
        in_specs=[
            pl.BlockSpec((blk, 128), lambda i: (i, 0)),
            pl.BlockSpec((1, blk), lambda i: (0, i)),
            pl.BlockSpec((1, blk), lambda i: (0, i)),
        ],
        out_specs=pl.BlockSpec((_C, blk), lambda i: (0, i)),
        out_shape=jax.ShapeDtypeStruct((_C, _P), jnp.float32),
        compiler_params=pltpu.CompilerParams(
            dimension_semantics=("parallel",)),
    )(tcv, occ0, occ1)


def kernel(voxel_features, coors):
    padn = _NP - _N
    vf_p = jnp.pad(voxel_features, ((0, padn), (0, 128 - _C)))
    yc = jnp.pad(coors[:, 1].astype(jnp.int32), (0, padn),
                 constant_values=_NY)
    xc = jnp.pad(coors[:, 2].astype(jnp.int32), (0, padn))
    tcv, occ0, occ1 = _scatter_sc(vf_p, yc, xc)
    canvas = _transpose_tc(tcv, occ0.reshape(1, -1), occ1.reshape(1, -1))
    return canvas.reshape(1, _C, _NY, _NX)

# --- scband reference (transcript-rebuilt; emitter-appended) ---
"""Pipeline reference for scband-rali-point-pillars-scatter-24713241822149 (READ-ONLY COPY).

The authoritative reference and input builder live on the scoring server;
editing this copy changes nothing except your own understanding.
"""

import jax, jax.numpy as jnp
import numpy as np

NX, NY, C, N = 512, 512, 64, 30000


def setup_inputs(seed: int = 0) -> dict:
    key = jax.random.key(seed)
    k1, k2 = jax.random.split(key)
    voxel_features = jax.random.normal(k1, (N, C), dtype=jnp.float32)
    # unique pillar coordinates (matches real voxelization: at most one feature per pillar)
    flat = jax.random.permutation(k2, NX * NY)[:N]
    y = (flat // NX).astype(jnp.int32)
    x = (flat % NX).astype(jnp.int32)
    b = jnp.zeros((N,), dtype=jnp.int32)
    coors = jnp.stack([b, y, x], axis=1)
    return {"voxel_features": voxel_features, "coors": coors}


def reference(voxel_features, coors):
    # forward_single of PointPillarsScatter
    # canvas: (C, ny*nx) zeros, scatter-overwrite voxel features at (y, x)
    canvas = jnp.zeros((C, NY * NX), dtype=voxel_features.dtype)
    flat_idx = coors[:, 1].astype(jnp.int32) * NX + coors[:, 2].astype(jnp.int32)
    # canvas[:, y, x] = voxels  (voxels = voxel_features.T, shape (C, N))
    canvas = canvas.at[:, flat_idx].set(voxel_features.T)
    canvas = canvas.reshape(1, C, NY, NX)
    return canvas

if __name__ == "__main__":
    import jax
    _d = setup_inputs()
    print(jax.jit(kernel)(*tuple(_d.values())))

</pallas_src>

<mosaic_0001>
#map = affine_map<(d0, d1) -> (0, 0)>
#map1 = affine_map<(d0, d1) -> (0)>
module attributes {stable_mosaic.version = 14 : i64} {
  func.func @_scatter_sc(%arg0: i32, %arg1: i32, %arg2: memref<32768x128xf32, #tpu.memory_space<hbm>>, %arg3: memref<32768xi32, #tpu.memory_space<hbm>>, %arg4: memref<32768xi32, #tpu.memory_space<hbm>>, %arg5: memref<262160x128xf32, #tpu.memory_space<hbm>>, %arg6: memref<264192xf32, #tpu.memory_space<hbm>>, %arg7: memref<264192xf32, #tpu.memory_space<hbm>>, %arg8: memref<512x128xf32, #tpu.memory_space<vmem>>, %arg9: memref<1024xi32, #tpu.memory_space<vmem>>, %arg10: memref<1024xi32, #tpu.memory_space<vmem>>, %arg11: memref<8x128xi32, #tpu.memory_space<vmem>>, %arg12: memref<128xf32, #tpu.memory_space<vmem>>, %arg13: memref<16512xf32, #tpu.memory_space<vmem>>, %arg14: memref<264192xf32, #tpu.memory_space<vmem_shared>>, %arg15: memref<!tpu.dma_semaphore, #tpu.memory_space<semaphore_mem>>, %arg16: memref<!tpu.dma_semaphore, #tpu.memory_space<semaphore_mem>>) attributes {dimension_semantics = [#tpu.dimension_semantics<core_parallel>, #tpu.dimension_semantics<subcore_parallel>], iteration_bounds = array<i64: 2, 16>, scalar_prefetch = 0 : i64, scratch_operands = 9 : i64, tpu.core_type = #tpu.core_type<sc_vector_subcore>, window_params = [{transform_indices = #map}, {transform_indices = #map1}, {transform_indices = #map1}, {transform_indices = #map}, {transform_indices = #map1}, {transform_indices = #map1}]} {
    %mul3A = arith.constant 16 : i32
    %mul3A_0 = arith.muli %arg0, %mul3A : i32
    %add3A = arith.addi %mul3A_0, %arg1 : i32
    %mul3A_1 = arith.constant 1024 : i32
    %mul3A_2 = arith.muli %add3A, %mul3A_1 : i32
    %scan3A = arith.constant 0 : i32
    %scan3A_3 = arith.constant 0 : i32
    %scan3A_4 = arith.constant 1032 : i32
    %scan3A_5 = arith.addi %scan3A_3, %scan3A_4 : i32
    %scan3A_6 = arith.constant 1 : i32
    scf.for %scan3A_1347 = %scan3A_3 to %scan3A_5 step %scan3A_6  : i32 {
      %broadcast_in_dim3A_1348 = arith.constant 0.000000e+00 : f32
      %broadcast_in_dim3A_1349 = vector.broadcast %broadcast_in_dim3A_1348 : f32 to vector<16xf32>
      %mul3A_1350 = arith.constant 16 : i32
      %mul3A_1351 = arith.muli %scan3A_1347, %mul3A_1350 : i32
      %swap3A_1352 = arith.index_cast %mul3A_1351 : i32 to index
      %swap3A_1353 = tpu.vector_load %arg13[%swap3A_1352] {strides = array<i32>} : memref<16512xf32, #tpu.memory_space<vmem>>, vector<16xf32>,
      %swap3A_1354 = vector.shape_cast %swap3A_1353 : vector<16xf32> to vector<16xf32>
      %swap3A_1355 = vector.shape_cast %broadcast_in_dim3A_1349 : vector<16xf32> to vector<16xf32>
      tpu.vector_store %arg13[%swap3A_1352], %swap3A_1355 {strides = array<i32>} : memref<16512xf32, #tpu.memory_space<vmem>>, vector<16xf32>,
    }
    %scan3A_7 = arith.constant 1032 : i32
    %broadcast_in_dim3A = arith.constant 1.000000e+00 : f32
    %broadcast_in_dim3A_8 = vector.broadcast %broadcast_in_dim3A : f32 to vector<16xf32>
    %swap3A = arith.constant 0 : index
    %swap3A_9 = tpu.vector_load %arg12[%swap3A] {strides = array<i32>} : memref<128xf32, #tpu.memory_space<vmem>>, vector<16xf32>,
    %swap3A_10 = vector.shape_cast %swap3A_9 : vector<16xf32> to vector<16xf32>
    %swap3A_11 = vector.shape_cast %broadcast_in_dim3A_8 : vector<16xf32> to vector<16xf32>
    tpu.vector_store %arg12[%swap3A], %swap3A_11 {strides = array<i32>} : memref<128xf32, #tpu.memory_space<vmem>>, vector<16xf32>,
    %broadcast_in_dim3A_12 = arith.constant 1.000000e+00 : f32
    %broadcast_in_dim3A_13 = vector.broadcast %broadcast_in_dim3A_12 : f32 to vector<16xf32>
    %swap3A_14 = arith.constant 16 : index
    %swap3A_15 = tpu.vector_load %arg12[%swap3A_14] {strides = array<i32>} : memref<128xf32, #tpu.memory_space<vmem>>, vector<16xf32>,
    %swap3A_16 = vector.shape_cast %swap3A_15 : vector<16xf32> to vector<16xf32>
    %swap3A_17 = vector.shape_cast %broadcast_in_dim3A_13 : vector<16xf32> to vector<16xf32>
    tpu.vector_store %arg12[%swap3A_14], %swap3A_17 {strides = array<i32>} : memref<128xf32, #tpu.memory_space<vmem>>, vector<16xf32>,
    %broadcast_in_dim3A_18 = arith.constant 1.000000e+00 : f32
    %broadcast_in_dim3A_19 = vector.broadcast %broadcast_in_dim3A_18 : f32 to vector<16xf32>
    %swap3A_20 = arith.constant 32 : index
    %swap3A_21 = tpu.vector_load %arg12[%swap3A_20] {strides = array<i32>} : memref<128xf32, #tpu.memory_space<vmem>>, vector<16xf32>,
    %swap3A_22 = vector.shape_cast %swap3A_21 : vector<16xf32> to vector<16xf32>
    %swap3A_23 = vector.shape_cast %broadcast_in_dim3A_19 : vector<16xf32> to vector<16xf32>
    tpu.vector_store %arg12[%swap3A_20], %swap3A_23 {strides = array<i32>} : memref<128xf32, #tpu.memory_space<vmem>>, vector<16xf32>,
    %broadcast_in_dim3A_24 = arith.constant 1.000000e+00 : f32
    %broadcast_in_dim3A_25 = vector.broadcast %broadcast_in_dim3A_24 : f32 to vector<16xf32>
    %swap3A_26 = arith.constant 48 : index
    %swap3A_27 = tpu.vector_load %arg12[%swap3A_26] {strides = array<i32>} : memref<128xf32, #tpu.memory_space<vmem>>, vector<16xf32>,
    %swap3A_28 = vector.shape_cast %swap3A_27 : vector<16xf32> to vector<16xf32>
    %swap3A_29 = vector.shape_cast %broadcast_in_dim3A_25 : vector<16xf32> to vector<16xf32>
    tpu.vector_store %arg12[%swap3A_26], %swap3A_29 {strides = array<i32>} : memref<128xf32, #tpu.memory_space<vmem>>, vector<16xf32>,
    %broadcast_in_dim3A_30 = arith.constant 1.000000e+00 : f32
    %broadcast_in_dim3A_31 = vector.broadcast %broadcast_in_dim3A_30 : f32 to vector<16xf32>
    %swap3A_32 = arith.constant 64 : index
    %swap3A_33 = tpu.vector_load %arg12[%swap3A_32] {strides = array<i32>} : memref<128xf32, #tpu.memory_space<vmem>>, vector<16xf32>,
    %swap3A_34 = vector.shape_cast %swap3A_33 : vector<16xf32> to vector<16xf32>
    %swap3A_35 = vector.shape_cast %broadcast_in_dim3A_31 : vector<16xf32> to vector<16xf32>
    tpu.vector_store %arg12[%swap3A_32], %swap3A_35 {strides = array<i32>} : memref<128xf32, #tpu.memory_space<vmem>>, vector<16xf32>,
    %broadcast_in_dim3A_36 = arith.constant 1.000000e+00 : f32
    %broadcast_in_dim3A_37 = vector.broadcast %broadcast_in_dim3A_36 : f32 to vector<16xf32>
    %swap3A_38 = arith.constant 80 : index
    %swap3A_39 = tpu.vector_load %arg12[%swap3A_38] {strides = array<i32>} : memref<128xf32, #tpu.memory_space<vmem>>, vector<16xf32>,
    %swap3A_40 = vector.shape_cast %swap3A_39 : vector<16xf32> to vector<16xf32>
    %swap3A_41 = vector.shape_cast %broadcast_in_dim3A_37 : vector<16xf32> to vector<16xf32>
    tpu.vector_store %arg12[%swap3A_38], %swap3A_41 {strides = array<i32>} : memref<128xf32, #tpu.memory_space<vmem>>, vector<16xf32>,
    %broadcast_in_dim3A_42 = arith.constant 1.000000e+00 : f32
    %broadcast_in_dim3A_43 = vector.broadcast %broadcast_in_dim3A_42 : f32 to vector<16xf32>
    %swap3A_44 = arith.constant 96 : index
    %swap3A_45 = tpu.vector_load %arg12[%swap3A_44] {strides = array<i32>} : memref<128xf32, #tpu.memory_space<vmem>>, vector<16xf32>,
    %swap3A_46 = vector.shape_cast %swap3A_45 : vector<16xf32> to vector<16xf32>
    %swap3A_47 = vector.shape_cast %broadcast_in_dim3A_43 : vector<16xf32> to vector<16xf32>
    tpu.vector_store %arg12[%swap3A_44], %swap3A_47 {strides = array<i32>} : memref<128xf32, #tpu.memory_space<vmem>>, vector<16xf32>,
    %broadcast_in_dim3A_48 = arith.constant 1.000000e+00 : f32
    %broadcast_in_dim3A_49 = vector.broadcast %broadcast_in_dim3A_48 : f32 to vector<16xf32>
    %swap3A_50 = arith.constant 112 : index
    %swap3A_51 = tpu.vector_load %arg12[%swap3A_50] {strides = array<i32>} : memref<128xf32, #tpu.memory_space<vmem>>, vector<16xf32>,
    %swap3A_52 = vector.shape_cast %swap3A_51 : vector<16xf32> to vector<16xf32>
    %swap3A_53 = vector.shape_cast %broadcast_in_dim3A_49 : vector<16xf32> to vector<16xf32>
    tpu.vector_store %arg12[%swap3A_50], %swap3A_53 {strides = array<i32>} : memref<128xf32, #tpu.memory_space<vmem>>, vector<16xf32>,
    "tpu.region"() ({
      %run_scoped3A = tpu.sem_alloc : memref<!tpu.dma_semaphore, #tpu.memory_space<semaphore_mem>>
      %dma_start3A_1347 = tpu.memref_slice %arg3[%mul3A_2] : memref<32768xi32, #tpu.memory_space<hbm>> -> memref<1024xi32, #tpu.memory_space<hbm>>
      %dma_start3A_1348 = tpu.memref_slice %arg3[%mul3A_2] : memref<32768xi32, #tpu.memory_space<hbm>> -> memref<1024xi32, #tpu.memory_space<hbm>>
      tpu.enqueue_dma source(%dma_start3A_1348 : memref<1024xi32, #tpu.memory_space<hbm>>) target(%arg9 : memref<1024xi32, #tpu.memory_space<vmem>>) target_semaphore(%run_scoped3A : memref<!tpu.dma_semaphore, #tpu.memory_space<semaphore_mem>>)
      %dma_wait3A_1349 = tpu.memref_slice %arg3[%mul3A_2] : memref<32768xi32, #tpu.memory_space<hbm>> -> memref<1024xi32, #tpu.memory_space<hbm>>
      %dma_wait3A_1350 = tpu.memref_slice %arg3[%mul3A_2] : memref<32768xi32, #tpu.memory_space<hbm>> -> memref<1024xi32, #tpu.memory_space<hbm>>
      tpu.wait_dma2 semaphore(%run_scoped3A : memref<!tpu.dma_semaphore, #tpu.memory_space<semaphore_mem>>) src(%dma_wait3A_1350 : memref<1024xi32, #tpu.memory_space<hbm>>) dst(%arg9 : memref<1024xi32, #tpu.memory_space<vmem>>)
      tpu.yield
    }) : () -> ()
    "tpu.region"() ({
      %run_scoped3A = tpu.sem_alloc : memref<!tpu.dma_semaphore, #tpu.memory_space<semaphore_mem>>
      %dma_start3A_1347 = tpu.memref_slice %arg4[%mul3A_2] : memref<32768xi32, #tpu.memory_space<hbm>> -> memref<1024xi32, #tpu.memory_space<hbm>>
      %dma_start3A_1348 = tpu.memref_slice %arg4[%mul3A_2] : memref<32768xi32, #tpu.memory_space<hbm>> -> memref<1024xi32, #tpu.memory_space<hbm>>
      tpu.enqueue_dma source(%dma_start3A_1348 : memref<1024xi32, #tpu.memory_space<hbm>>) target(%arg10 : memref<1024xi32, #tpu.memory_space<vmem>>) target_semaphore(%run_scoped3A : memref<!tpu.dma_semaphore, #tpu.memory_space<semaphore_mem>>)
      %dma_wait3A_1349 = tpu.memref_slice %arg4[%mul3A_2] : memref<32768xi32, #tpu.memory_space<hbm>> -> memref<1024xi32, #tpu.memory_space<hbm>>
      %dma_wait3A_1350 = tpu.memref_slice %arg4[%mul3A_2] : memref<32768xi32, #tpu.memory_space<hbm>> -> memref<1024xi32, #tpu.memory_space<hbm>>
      tpu.wait_dma2 semaphore(%run_scoped3A : memref<!tpu.dma_semaphore, #tpu.memory_space<semaphore_mem>>) src(%dma_wait3A_1350 : memref<1024xi32, #tpu.memory_space<hbm>>) dst(%arg10 : memref<1024xi32, #tpu.memory_space<vmem>>)
      tpu.yield
    }) : () -> ()
    %get3A = arith.constant 0 : index
    %get3A_54 = tpu.vector_load %arg9[%get3A] {strides = array<i32>} : memref<1024xi32, #tpu.memory_space<vmem>>, vector<16xi32>,
    %get3A_55 = vector.shape_cast %get3A_54 : vector<16xi32> to vector<16xi32>
    %get3A_56 = arith.constant 0 : index
    %get3A_57 = tpu.vector_load %arg10[%get3A_56] {strides = array<i32>} : memref<1024xi32, #tpu.memory_space<vmem>>, vector<16xi32>,
    %get3A_58 = vector.shape_cast %get3A_57 : vector<16xi32> to vector<16xi32>
    %mul3A_59 = arith.constant 512 : i32
    %mul3A_60 = vector.broadcast %mul3A_59 : i32 to vector<16xi32>
    %mul3A_61 = arith.muli %get3A_55, %mul3A_60 : vector<16xi32>
    %add3A_62 = arith.addi %mul3A_61, %get3A_58 : vector<16xi32>
    %swap3A_63 = arith.constant 0 : i32
    %swap3A_64 = arith.index_cast %swap3A_63 : i32 to index
    %swap3A_65 = arith.constant 0 : index
    %swap3A_66 = tpu.vector_load %arg11[%swap3A_64, %swap3A_65] {strides = array<i32>} : memref<8x128xi32, #tpu.memory_space<vmem>>, vector<1x16xi32>,
    %swap3A_67 = vector.shape_cast %swap3A_66 : vector<1x16xi32> to vector<16xi32>
    %swap3A_68 = vector.shape_cast %add3A_62 : vector<16xi32> to vector<1x16xi32>
    tpu.vector_store %arg11[%swap3A_64, %swap3A_65], %swap3A_68 {strides = array<i32>} : memref<8x128xi32, #tpu.memory_space<vmem>>, vector<1x16xi32>,
    %get3A_69 = arith.constant 16 : index
    %get3A_70 = tpu.vector_load %arg9[%get3A_69] {strides = array<i32>} : memref<1024xi32, #tpu.memory_space<vmem>>, vector<16xi32>,
    %get3A_71 = vector.shape_cast %get3A_70 : vector<16xi32> to vector<16xi32>
    %get3A_72 = arith.constant 16 : index
    %get3A_73 = tpu.vector_load %arg10[%get3A_72] {strides = array<i32>} : memref<1024xi32, #tpu.memory_space<vmem>>, vector<16xi32>,
    %get3A_74 = vector.shape_cast %get3A_73 : vector<16xi32> to vector<16xi32>
    %mul3A_75 = arith.constant 512 : i32
    %mul3A_76 = vector.broadcast %mul3A_75 : i32 to vector<16xi32>
    %mul3A_77 = arith.muli %get3A_71, %mul3A_76 : vector<16xi32>
    %add3A_78 = arith.addi %mul3A_77, %get3A_74 : vector<16xi32>
    %swap3A_79 = arith.constant 0 : i32
    %swap3A_80 = arith.index_cast %swap3A_79 : i32 to index
    %swap3A_81 = arith.constant 16 : index
    %swap3A_82 = tpu.vector_load %arg11[%swap3A_80, %swap3A_81] {strides = array<i32>} : memref<8x128xi32, #tpu.memory_space<vmem>>, vector<1x16xi32>,
    %swap3A_83 = vector.shape_cast %swap3A_82 : vector<1x16xi32> to vector<16xi32>
    %swap3A_84 = vector.shape_cast %add3A_78 : vector<16xi32> to vector<1x16xi32>
    tpu.vector_store %arg11[%swap3A_80, %swap3A_81], %swap3A_84 {strides = array<i32>} : memref<8x128xi32, #tpu.memory_space<vmem>>, vector<1x16xi32>,
    %get3A_85 = arith.constant 32 : index
    %get3A_86 = tpu.vector_load %arg9[%get3A_85] {strides = array<i32>} : memref<1024xi32, #tpu.memory_space<vmem>>, vector<16xi32>,
    %get3A_87 = vector.shape_cast %get3A_86 : vector<16xi32> to vector<16xi32>
    %get3A_88 = arith.constant 32 : index
    %get3A_89 = tpu.vector_load %arg10[%get3A_88] {strides = array<i32>} : memref<1024xi32, #tpu.memory_space<vmem>>, vector<16xi32>,
    %get3A_90 = vector.shape_cast %get3A_89 : vector<16xi32> to vector<16xi32>
    %mul3A_91 = arith.constant 512 : i32
    %mul3A_92 = vector.broadcast %mul3A_91 : i32 to vector<16xi32>
    %mul3A_93 = arith.muli %get3A_87, %mul3A_92 : vector<16xi32>
    %add3A_94 = arith.addi %mul3A_93, %get3A_90 : vector<16xi32>
    %swap3A_95 = arith.constant 0 : i32
    %swap3A_96 = arith.index_cast %swap3A_95 : i32 to index
    %swap3A_97 = arith.constant 32 : index
    %swap3A_98 = tpu.vector_load %arg11[%swap3A_96, %swap3A_97] {strides = array<i32>} : memref<8x128xi32, #tpu.memory_space<vmem>>, vector<1x16xi32>,
    %swap3A_99 = vector.shape_cast %swap3A_98 : vector<1x16xi32> to vector<16xi32>
    %swap3A_100 = vector.shape_cast %add3A_94 : vector<16xi32> to vector<1x16xi32>
    tpu.vector_store %arg11[%swap3A_96, %swap3A_97], %swap3A_100 {strides = array<i32>} : memref<8x128xi32, #tpu.memory_space<vmem>>, vector<1x16xi32>,
    %get3A_101 = arith.constant 48 : index
    %get3A_102 = tpu.vector_load %arg9[%get3A_101] {strides = array<i32>} : memref<1024xi32, #tpu.memory_space<vmem>>, vector<16xi32>,
    %get3A_103 = vector.shape_cast %get3A_102 : vector<16xi32> to vector<16xi32>
    %get3A_104 = arith.constant 48 : index
    %get3A_105 = tpu.vector_load %arg10[%get3A_104] {strides = array<i32>} : memref<1024xi32, #tpu.memory_space<vmem>>, vector<16xi32>,
    %get3A_106 = vector.shape_cast %get3A_105 : vector<16xi32> to vector<16xi32>
    %mul3A_107 = arith.constant 512 : i32
    %mul3A_108 = vector.broadcast %mul3A_107 : i32 to vector<16xi32>
    %mul3A_109 = arith.muli %get3A_103, %mul3A_108 : vector<16xi32>
    %add3A_110 = arith.addi %mul3A_109, %get3A_106 : vector<16xi32>
    %swap3A_111 = arith.constant 0 : i32
    %swap3A_112 = arith.index_cast %swap3A_111 : i32 to index
    %swap3A_113 = arith.constant 48 : index
    %swap3A_114 = tpu.vector_load %arg11[%swap3A_112, %swap3A_113] {strides = array<i32>} : memref<8x128xi32, #tpu.memory_space<vmem>>, vector<1x16xi32>,
    %swap3A_115 = vector.shape_cast %swap3A_114 : vector<1x16xi32> to vector<16xi32>
    %swap3A_116 = vector.shape_cast %add3A_110 : vector<16xi32> to vector<1x16xi32>
    tpu.vector_store %arg11[%swap3A_112, %swap3A_113], %swap3A_116 {strides = array<i32>} : memref<8x128xi32, #tpu.memory_space<vmem>>, vector<1x16xi32>,
    %get3A_117 = arith.constant 64 : index
    %get3A_118 = tpu.vector_load %arg9[%get3A_117] {strides = array<i32>} : memref<1024xi32, #tpu.memory_space<vmem>>, vector<16xi32>,
    %get3A_119 = vector.shape_cast %get3A_118 : vector<16xi32> to vector<16xi32>
    %get3A_120 = arith.constant 64 : index
    %get3A_121 = tpu.vector_load %arg10[%get3A_120] {strides = array<i32>} : memref<1024xi32, #tpu.memory_space<vmem>>, vector<16xi32>,
    %get3A_122 = vector.shape_cast %get3A_121 : vector<16xi32> to vector<16xi32>
    %mul3A_123 = arith.constant 512 : i32
    %mul3A_124 = vector.broadcast %mul3A_123 : i32 to vector<16xi32>
    %mul3A_125 = arith.muli %get3A_119, %mul3A_124 : vector<16xi32>
    %add3A_126 = arith.addi %mul3A_125, %get3A_122 : vector<16xi32>
    %swap3A_127 = arith.constant 0 : i32
    %swap3A_128 = arith.index_cast %swap3A_127 : i32 to index
    %swap3A_129 = arith.constant 64 : index
    %swap3A_130 = tpu.vector_load %arg11[%swap3A_128, %swap3A_129] {strides = array<i32>} : memref<8x128xi32, #tpu.memory_space<vmem>>, vector<1x16xi32>,
    %swap3A_131 = vector.shape_cast %swap3A_130 : vector<1x16xi32> to vector<16xi32>
    %swap3A_132 = vector.shape_cast %add3A_126 : vector<16xi32> to vector<1x16xi32>
    tpu.vector_store %arg11[%swap3A_128, %swap3A_129], %swap3A_132 {strides = array<i32>} : memref<8x128xi32, #tpu.memory_space<vmem>>, vector<1x16xi32>,
    %get3A_133 = arith.constant 80 : index
    %get3A_134 = tpu.vector_load %arg9[%get3A_133] {strides = array<i32>} : memref<1024xi32, #tpu.memory_space<vmem>>, vector<16xi32>,
    %get3A_135 = vector.shape_cast %get3A_134 : vector<16xi32> to vector<16xi32>
    %get3A_136 = arith.constant 80 : index
    %get3A_137 = tpu.vector_load %arg10[%get3A_136] {strides = array<i32>} : memref<1024xi32, #tpu.memory_space<vmem>>, vector<16xi32>,
    %get3A_138 = vector.shape_cast %get3A_137 : vector<16xi32> to vector<16xi32>
    %mul3A_139 = arith.constant 512 : i32
    %mul3A_140 = vector.broadcast %mul3A_139 : i32 to vector<16xi32>
    %mul3A_141 = arith.muli %get3A_135, %mul3A_140 : vector<16xi32>
    %add3A_142 = arith.addi %mul3A_141, %get3A_138 : vector<16xi32>
    %swap3A_143 = arith.constant 0 : i32
    %swap3A_144 = arith.index_cast %swap3A_143 : i32 to index
    %swap3A_145 = arith.constant 80 : index
    %swap3A_146 = tpu.vector_load %arg11[%swap3A_144, %swap3A_145] {strides = array<i32>} : memref<8x128xi32, #tpu.memory_space<vmem>>, vector<1x16xi32>,
    %swap3A_147 = vector.shape_cast %swap3A_146 : vector<1x16xi32> to vector<16xi32>
    %swap3A_148 = vector.shape_cast %add3A_142 : vector<16xi32> to vector<1x16xi32>
    tpu.vector_store %arg11[%swap3A_144, %swap3A_145], %swap3A_148 {strides = array<i32>} : memref<8x128xi32, #tpu.memory_space<vmem>>, vector<1x16xi32>,
    %get3A_149 = arith.constant 96 : index
    %get3A_150 = tpu.vector_load %arg9[%get3A_149] {strides = array<i32>} : memref<1024xi32, #tpu.memory_space<vmem>>, vector<16xi32>,
    %get3A_151 = vector.shape_cast %get3A_150 : vector<16xi32> to vector<16xi32>
    %get3A_152 = arith.constant 96 : index
    %get3A_153 = tpu.vector_load %arg10[%get3A_152] {strides = array<i32>} : memref<1024xi32, #tpu.memory_space<vmem>>, vector<16xi32>,
    %get3A_154 = vector.shape_cast %get3A_153 : vector<16xi32> to vector<16xi32>
    %mul3A_155 = arith.constant 512 : i32
    %mul3A_156 = vector.broadcast %mul3A_155 : i32 to vector<16xi32>
    %mul3A_157 = arith.muli %get3A_151, %mul3A_156 : vector<16xi32>
    %add3A_158 = arith.addi %mul3A_157, %get3A_154 : vector<16xi32>
    %swap3A_159 = arith.constant 0 : i32
    %swap3A_160 = arith.index_cast %swap3A_159 : i32 to index
    %swap3A_161 = arith.constant 96 : index
    %swap3A_162 = tpu.vector_load %arg11[%swap3A_160, %swap3A_161] {strides = array<i32>} : memref<8x128xi32, #tpu.memory_space<vmem>>, vector<1x16xi32>,
    %swap3A_163 = vector.shape_cast %swap3A_162 : vector<1x16xi32> to vector<16xi32>
    %swap3A_164 = vector.shape_cast %add3A_158 : vector<16xi32> to vector<1x16xi32>
    tpu.vector_store %arg11[%swap3A_160, %swap3A_161], %swap3A_164 {strides = array<i32>} : memref<8x128xi32, #tpu.memory_space<vmem>>, vector<1x16xi32>,
    %get3A_165 = arith.constant 112 : index
    %get3A_166 = tpu.vector_load %arg9[%get3A_165] {strides = array<i32>} : memref<1024xi32, #tpu.memory_space<vmem>>, vector<16xi32>,
    %get3A_167 = vector.shape_cast %get3A_166 : vector<16xi32> to vector<16xi32>
    %get3A_168 = arith.constant 112 : index
    %get3A_169 = tpu.vector_load %arg10[%get3A_168] {strides = array<i32>} : memref<1024xi32, #tpu.memory_space<vmem>>, vector<16xi32>,
    %get3A_170 = vector.shape_cast %get3A_169 : vector<16xi32> to vector<16xi32>
    %mul3A_171 = arith.constant 512 : i32
    %mul3A_172 = vector.broadcast %mul3A_171 : i32 to vector<16xi32>
    %mul3A_173 = arith.muli %get3A_167, %mul3A_172 : vector<16xi32>
    %add3A_174 = arith.addi %mul3A_173, %get3A_170 : vector<16xi32>
    %swap3A_175 = arith.constant 0 : i32
    %swap3A_176 = arith.index_cast %swap3A_175 : i32 to index
    %swap3A_177 = arith.constant 112 : index
    %swap3A_178 = tpu.vector_load %arg11[%swap3A_176, %swap3A_177] {strides = array<i32>} : memref<8x128xi32, #tpu.memory_space<vmem>>, vector<1x16xi32>,
    %swap3A_179 = vector.shape_cast %swap3A_178 : vector<1x16xi32> to vector<16xi32>
    %swap3A_180 = vector.shape_cast %add3A_174 : vector<16xi32> to vector<1x16xi32>
    tpu.vector_store %arg11[%swap3A_176, %swap3A_177], %swap3A_180 {strides = array<i32>} : memref<8x128xi32, #tpu.memory_space<vmem>>, vector<1x16xi32>,
    %get3A_181 = arith.constant 128 : index
    %get3A_182 = tpu.vector_load %arg9[%get3A_181] {strides = array<i32>} : memref<1024xi32, #tpu.memory_space<vmem>>, vector<16xi32>,
    %get3A_183 = vector.shape_cast %get3A_182 : vector<16xi32> to vector<16xi32>
    %get3A_184 = arith.constant 128 : index
    %get3A_185 = tpu.vector_load %arg10[%get3A_184] {strides = array<i32>} : memref<1024xi32, #tpu.memory_space<vmem>>, vector<16xi32>,
    %get3A_186 = vector.shape_cast %get3A_185 : vector<16xi32> to vector<16xi32>
    %mul3A_187 = arith.constant 512 : i32
    %mul3A_188 = vector.broadcast %mul3A_187 : i32 to vector<16xi32>
    %mul3A_189 = arith.muli %get3A_183, %mul3A_188 : vector<16xi32>
    %add3A_190 = arith.addi %mul3A_189, %get3A_186 : vector<16xi32>
    %swap3A_191 = arith.constant 1 : i32
    %swap3A_192 = arith.index_cast %swap3A_191 : i32 to index
    %swap3A_193 = arith.constant 0 : index
    %swap3A_194 = tpu.vector_load %arg11[%swap3A_192, %swap3A_193] {strides = array<i32>} : memref<8x128xi32, #tpu.memory_space<vmem>>, vector<1x16xi32>,
    %swap3A_195 = vector.shape_cast %swap3A_194 : vector<1x16xi32> to vector<16xi32>
    %swap3A_196 = vector.shape_cast %add3A_190 : vector<16xi32> to vector<1x16xi32>
    tpu.vector_store %arg11[%swap3A_192, %swap3A_193], %swap3A_196 {strides = array<i32>} : memref<8x128xi32, #tpu.memory_space<vmem>>, vector<1x16xi32>,
    %get3A_197 = arith.constant 144 : index
    %get3A_198 = tpu.vector_load %arg9[%get3A_197] {strides = array<i32>} : memref<1024xi32, #tpu.memory_space<vmem>>, vector<16xi32>,
    %get3A_199 = vector.shape_cast %get3A_198 : vector<16xi32> to vector<16xi32>
    %get3A_200 = arith.constant 144 : index
    %get3A_201 = tpu.vector_load %arg10[%get3A_200] {strides = array<i32>} : memref<1024xi32, #tpu.memory_space<vmem>>, vector<16xi32>,
    %get3A_202 = vector.shape_cast %get3A_201 : vector<16xi32> to vector<16xi32>
    %mul3A_203 = arith.constant 512 : i32
    %mul3A_204 = vector.broadcast %mul3A_203 : i32 to vector<16xi32>
    %mul3A_205 = arith.muli %get3A_199, %mul3A_204 : vector<16xi32>
    %add3A_206 = arith.addi %mul3A_205, %get3A_202 : vector<16xi32>
    %swap3A_207 = arith.constant 1 : i32
    %swap3A_208 = arith.index_cast %swap3A_207 : i32 to index
    %swap3A_209 = arith.constant 16 : index
    %swap3A_210 = tpu.vector_load %arg11[%swap3A_208, %swap3A_209] {strides = array<i32>} : memref<8x128xi32, #tpu.memory_space<vmem>>, vector<1x16xi32>,
    %swap3A_211 = vector.shape_cast %swap3A_210 : vector<1x16xi32> to vector<16xi32>
    %swap3A_212 = vector.shape_cast %add3A_206 : vector<16xi32> to vector<1x16xi32>
    tpu.vector_store %arg11[%swap3A_208, %swap3A_209], %swap3A_212 {strides = array<i32>} : memref<8x128xi32, #tpu.memory_space<vmem>>, vector<1x16xi32>,
    %get3A_213 = arith.constant 160 : index
    %get3A_214 = tpu.vector_load %arg9[%get3A_213] {strides = array<i32>} : memref<1024xi32, #tpu.memory_space<vmem>>, vector<16xi32>,
    %get3A_215 = vector.shape_cast %get3A_214 : vector<16xi32> to vector<16xi32>
    %get3A_216 = arith.constant 160 : index
    %get3A_217 = tpu.vector_load %arg10[%get3A_216] {strides = array<i32>} : memref<1024xi32, #tpu.memory_space<vmem>>, vector<16xi32>,
    %get3A_218 = vector.shape_cast %get3A_217 : vector<16xi32> to vector<16xi32>
    %mul3A_219 = arith.constant 512 : i32
    %mul3A_220 = vector.broadcast %mul3A_219 : i32 to vector<16xi32>
    %mul3A_221 = arith.muli %get3A_215, %mul3A_220 : vector<16xi32>
    %add3A_222 = arith.addi %mul3A_221, %get3A_218 : vector<16xi32>
    %swap3A_223 = arith.constant 1 : i32
    %swap3A_224 = arith.index_cast %swap3A_223 : i32 to index
    %swap3A_225 = arith.constant 32 : index
    %swap3A_226 = tpu.vector_load %arg11[%swap3A_224, %swap3A_225] {strides = array<i32>} : memref<8x128xi32, #tpu.memory_space<vmem>>, vector<1x16xi32>,
    %swap3A_227 = vector.shape_cast %swap3A_226 : vector<1x16xi32> to vector<16xi32>
    %swap3A_228 = vector.shape_cast %add3A_222 : vector<16xi32> to vector<1x16xi32>
    tpu.vector_store %arg11[%swap3A_224, %swap3A_225], %swap3A_228 {strides = array<i32>} : memref<8x128xi32, #tpu.memory_space<vmem>>, vector<1x16xi32>,
    %get3A_229 = arith.constant 176 : index
    %get3A_230 = tpu.vector_load %arg9[%get3A_229] {strides = array<i32>} : memref<1024xi32, #tpu.memory_space<vmem>>, vector<16xi32>,
    %get3A_231 = vector.shape_cast %get3A_230 : vector<16xi32> to vector<16xi32>
    %get3A_232 = arith.constant 176 : index
    %get3A_233 = tpu.vector_load %arg10[%get3A_232] {strides = array<i32>} : memref<1024xi32, #tpu.memory_space<vmem>>, vector<16xi32>,
    %get3A_234 = vector.shape_cast %get3A_233 : vector<16xi32> to vector<16xi32>
    %mul3A_235 = arith.constant 512 : i32
    %mul3A_236 = vector.broadcast %mul3A_235 : i32 to vector<16xi32>
    %mul3A_237 = arith.muli %get3A_231, %mul3A_236 : vector<16xi32>
    %add3A_238 = arith.addi %mul3A_237, %get3A_234 : vector<16xi32>
    %swap3A_239 = arith.constant 1 : i32
    %swap3A_240 = arith.index_cast %swap3A_239 : i32 to index
    %swap3A_241 = arith.constant 48 : index
    %swap3A_242 = tpu.vector_load %arg11[%swap3A_240, %swap3A_241] {strides = array<i32>} : memref<8x128xi32, #tpu.memory_space<vmem>>, vector<1x16xi32>,
    %swap3A_243 = vector.shape_cast %swap3A_242 : vector<1x16xi32> to vector<16xi32>
    %swap3A_244 = vector.shape_cast %add3A_238 : vector<16xi32> to vector<1x16xi32>
    tpu.vector_store %arg11[%swap3A_240, %swap3A_241], %swap3A_244 {strides = array<i32>} : memref<8x128xi32, #tpu.memory_space<vmem>>, vector<1x16xi32>,
    %get3A_245 = arith.constant 192 : index
    %get3A_246 = tpu.vector_load %arg9[%get3A_245] {strides = array<i32>} : memref<1024xi32, #tpu.memory_space<vmem>>, vector<16xi32>,
    %get3A_247 = vector.shape_cast %get3A_246 : vector<16xi32> to vector<16xi32>
    %get3A_248 = arith.constant 192 : index
    %get3A_249 = tpu.vector_load %arg10[%get3A_248] {strides = array<i32>} : memref<1024xi32, #tpu.memory_space<vmem>>, vector<16xi32>,
    %get3A_250 = vector.shape_cast %get3A_249 : vector<16xi32> to vector<16xi32>
    %mul3A_251 = arith.constant 512 : i32
    %mul3A_252 = vector.broadcast %mul3A_251 : i32 to vector<16xi32>
    %mul3A_253 = arith.muli %get3A_247, %mul3A_252 : vector<16xi32>
    %add3A_254 = arith.addi %mul3A_253, %get3A_250 : vector<16xi32>
    %swap3A_255 = arith.constant 1 : i32
    %swap3A_256 = arith.index_cast %swap3A_255 : i32 to index
    %swap3A_257 = arith.constant 64 : index
    %swap3A_258 = tpu.vector_load %arg11[%swap3A_256, %swap3A_257] {strides = array<i32>} : memref<8x128xi32, #tpu.memory_space<vmem>>, vector<1x16xi32>,
    %swap3A_259 = vector.shape_cast %swap3A_258 : vector<1x16xi32> to vector<16xi32>
    %swap3A_260 = vector.shape_cast %add3A_254 : vector<16xi32> to vector<1x16xi32>
    tpu.vector_store %arg11[%swap3A_256, %swap3A_257], %swap3A_260 {strides = array<i32>} : memref<8x128xi32, #tpu.memory_space<vmem>>, vector<1x16xi32>,
    %get3A_261 = arith.constant 208 : index
    %get3A_262 = tpu.vector_load %arg9[%get3A_261] {strides = array<i32>} : memref<1024xi32, #tpu.memory_space<vmem>>, vector<16xi32>,
    %get3A_263 = vector.shape_cast %get3A_262 : vector<16xi32> to vector<16xi32>
    %get3A_264 = arith.constant 208 : index
    %get3A_265 = tpu.vector_load %arg10[%get3A_264] {strides = array<i32>} : memref<1024xi32, #tpu.memory_space<vmem>>, vector<16xi32>,
    %get3A_266 = vector.shape_cast %get3A_265 : vector<16xi32> to vector<16xi32>
    %mul3A_267 = arith.constant 512 : i32
    %mul3A_268 = vector.broadcast %mul3A_267 : i32 to vector<16xi32>
    %mul3A_269 = arith.muli %get3A_263, %mul3A_268 : vector<16xi32>
    %add3A_270 = arith.addi %mul3A_269, %get3A_266 : vector<16xi32>
    %swap3A_271 = arith.constant 1 : i32
    %swap3A_272 = arith.index_cast %swap3A_271 : i32 to index
    %swap3A_273 = arith.constant 80 : index
    %swap3A_274 = tpu.vector_load %arg11[%swap3A_272, %swap3A_273] {strides = array<i32>} : memref<8x128xi32, #tpu.memory_space<vmem>>, vector<1x16xi32>,
    %swap3A_275 = vector.shape_cast %swap3A_274 : vector<1x16xi32> to vector<16xi32>
    %swap3A_276 = vector.shape_cast %add3A_270 : vector<16xi32> to vector<1x16xi32>
    tpu.vector_store %arg11[%swap3A_272, %swap3A_273], %swap3A_276 {strides = array<i32>} : memref<8x128xi32, #tpu.memory_space<vmem>>, vector<1x16xi32>,
    %get3A_277 = arith.constant 224 : index
    %get3A_278 = tpu.vector_load %arg9[%get3A_277] {strides = array<i32>} : memref<1024xi32, #tpu.memory_space<vmem>>, vector<16xi32>,
    %get3A_279 = vector.shape_cast %get3A_278 : vector<16xi32> to vector<16xi32>
    %get3A_280 = arith.constant 224 : index
    %get3A_281 = tpu.vector_load %arg10[%get3A_280] {strides = array<i32>} : memref<1024xi32, #tpu.memory_space<vmem>>, vector<16xi32>,
    %get3A_282 = vector.shape_cast %get3A_281 : vector<16xi32> to vector<16xi32>
    %mul3A_283 = arith.constant 512 : i32
    %mul3A_284 = vector.broadcast %mul3A_283 : i32 to vector<16xi32>
    %mul3A_285 = arith.muli %get3A_279, %mul3A_284 : vector<16xi32>
    %add3A_286 = arith.addi %mul3A_285, %get3A_282 : vector<16xi32>
    %swap3A_287 = arith.constant 1 : i32
    %swap3A_288 = arith.index_cast %swap3A_287 : i32 to index
    %swap3A_289 = arith.constant 96 : index
    %swap3A_290 = tpu.vector_load %arg11[%swap3A_288, %swap3A_289] {strides = array<i32>} : memref<8x128xi32, #tpu.memory_space<vmem>>, vector<1x16xi32>,
    %swap3A_291 = vector.shape_cast %swap3A_290 : vector<1x16xi32> to vector<16xi32>
    %swap3A_292 = vector.shape_cast %add3A_286 : vector<16xi32> to vector<1x16xi32>
    tpu.vector_store %arg11[%swap3A_288, %swap3A_289], %swap3A_292 {strides = array<i32>} : memref<8x128xi32, #tpu.memory_space<vmem>>, vector<1x16xi32>,
    %get3A_293 = arith.constant 240 : index
    %get3A_294 = tpu.vector_load %arg9[%get3A_293] {strides = array<i32>} : memref<1024xi32, #tpu.memory_space<vmem>>, vector<16xi32>,
    %get3A_295 = vector.shape_cast %get3A_294 : vector<16xi32> to vector<16xi32>
    %get3A_296 = arith.constant 240 : index
    %get3A_297 = tpu.vector_load %arg10[%get3A_296] {strides = array<i32>} : memref<1024xi32, #tpu.memory_space<vmem>>, vector<16xi32>,
    %get3A_298 = vector.shape_cast %get3A_297 : vector<16xi32> to vector<16xi32>
    %mul3A_299 = arith.constant 512 : i32
    %mul3A_300 = vector.broadcast %mul3A_299 : i32 to vector<16xi32>
    %mul3A_301 = arith.muli %get3A_295, %mul3A_300 : vector<16xi32>
    %add3A_302 = arith.addi %mul3A_301, %get3A_298 : vector<16xi32>
    %swap3A_303 = arith.constant 1 : i32
    %swap3A_304 = arith.index_cast %swap3A_303 : i32 to index
    %swap3A_305 = arith.constant 112 : index
    %swap3A_306 = tpu.vector_load %arg11[%swap3A_304, %swap3A_305] {strides = array<i32>} : memref<8x128xi32, #tpu.memory_space<vmem>>, vector<1x16xi32>,
    %swap3A_307 = vector.shape_cast %swap3A_306 : vector<1x16xi32> to vector<16xi32>
    %swap3A_308 = vector.shape_cast %add3A_302 : vector<16xi32> to vector<1x16xi32>
    tpu.vector_store %arg11[%swap3A_304, %swap3A_305], %swap3A_308 {strides = array<i32>} : memref<8x128xi32, #tpu.memory_space<vmem>>, vector<1x16xi32>,
    %get3A_309 = arith.constant 256 : index
    %get3A_310 = tpu.vector_load %arg9[%get3A_309] {strides = array<i32>} : memref<1024xi32, #tpu.memory_space<vmem>>, vector<16xi32>,
    %get3A_311 = vector.shape_cast %get3A_310 : vector<16xi32> to vector<16xi32>
    %get3A_312 = arith.constant 256 : index
    %get3A_313 = tpu.vector_load %arg10[%get3A_312] {strides = array<i32>} : memref<1024xi32, #tpu.memory_space<vmem>>, vector<16xi32>,
    %get3A_314 = vector.shape_cast %get3A_313 : vector<16xi32> to vector<16xi32>
    %mul3A_315 = arith.constant 512 : i32
    %mul3A_316 = vector.broadcast %mul3A_315 : i32 to vector<16xi32>
    %mul3A_317 = arith.muli %get3A_311, %mul3A_316 : vector<16xi32>
    %add3A_318 = arith.addi %mul3A_317, %get3A_314 : vector<16xi32>
    %swap3A_319 = arith.constant 2 : i32
    %swap3A_320 = arith.index_cast %swap3A_319 : i32 to index
    %swap3A_321 = arith.constant 0 : index
    %swap3A_322 = tpu.vector_load %arg11[%swap3A_320, %swap3A_321] {strides = array<i32>} : memref<8x128xi32, #tpu.memory_space<vmem>>, vector<1x16xi32>,
    %swap3A_323 = vector.shape_cast %swap3A_322 : vector<1x16xi32> to vector<16xi32>
    %swap3A_324 = vector.shape_cast %add3A_318 : vector<16xi32> to vector<1x16xi32>
    tpu.vector_store %arg11[%swap3A_320, %swap3A_321], %swap3A_324 {strides = array<i32>} : memref<8x128xi32, #tpu.memory_space<vmem>>, vector<1x16xi32>,
    %get3A_325 = arith.constant 272 : index
    %get3A_326 = tpu.vector_load %arg9[%get3A_325] {strides = array<i32>} : memref<1024xi32, #tpu.memory_space<vmem>>, vector<16xi32>,
    %get3A_327 = vector.shape_cast %get3A_326 : vector<16xi32> to vector<16xi32>
    %get3A_328 = arith.constant 272 : index
    %get3A_329 = tpu.vector_load %arg10[%get3A_328] {strides = array<i32>} : memref<1024xi32, #tpu.memory_space<vmem>>, vector<16xi32>,
    %get3A_330 = vector.shape_cast %get3A_329 : vector<16xi32> to vector<16xi32>
    %mul3A_331 = arith.constant 512 : i32
    %mul3A_332 = vector.broadcast %mul3A_331 : i32 to vector<16xi32>
    %mul3A_333 = arith.muli %get3A_327, %mul3A_332 : vector<16xi32>
    %add3A_334 = arith.addi %mul3A_333, %get3A_330 : vector<16xi32>
    %swap3A_335 = arith.constant 2 : i32
    %swap3A_336 = arith.index_cast %swap3A_335 : i32 to index
    %swap3A_337 = arith.constant 16 : index
    %swap3A_338 = tpu.vector_load %arg11[%swap3A_336, %swap3A_337] {strides = array<i32>} : memref<8x128xi32, #tpu.memory_space<vmem>>, vector<1x16xi32>,
    %swap3A_339 = vector.shape_cast %swap3A_338 : vector<1x16xi32> to vector<16xi32>
    %swap3A_340 = vector.shape_cast %add3A_334 : vector<16xi32> to vector<1x16xi32>
    tpu.vector_store %arg11[%swap3A_336, %swap3A_337], %swap3A_340 {strides = array<i32>} : memref<8x128xi32, #tpu.memory_space<vmem>>, vector<1x16xi32>,
    %get3A_341 = arith.constant 288 : index
    %get3A_342 = tpu.vector_load %arg9[%get3A_341] {strides = array<i32>} : memref<1024xi32, #tpu.memory_space<vmem>>, vector<16xi32>,
    %get3A_343 = vector.shape_cast %get3A_342 : vector<16xi32> to vector<16xi32>
    %get3A_344 = arith.constant 288 : index
    %get3A_345 = tpu.vector_load %arg10[%get3A_344] {strides = array<i32>} : memref<1024xi32, #tpu.memory_space<vmem>>, vector<16xi32>,
    %get3A_346 = vector.shape_cast %get3A_345 : vector<16xi32> to vector<16xi32>
    %mul3A_347 = arith.constant 512 : i32
    %mul3A_348 = vector.broadcast %mul3A_347 : i32 to vector<16xi32>
    %mul3A_349 = arith.muli %get3A_343, %mul3A_348 : vector<16xi32>
    %add3A_350 = arith.addi %mul3A_349, %get3A_346 : vector<16xi32>
    %swap3A_351 = arith.constant 2 : i32
    %swap3A_352 = arith.index_cast %swap3A_351 : i32 to index
    %swap3A_353 = arith.constant 32 : index
    %swap3A_354 = tpu.vector_load %arg11[%swap3A_352, %swap3A_353] {strides = array<i32>} : memref<8x128xi32, #tpu.memory_space<vmem>>, vector<1x16xi32>,
    %swap3A_355 = vector.shape_cast %swap3A_354 : vector<1x16xi32> to vector<16xi32>
    %swap3A_356 = vector.shape_cast %add3A_350 : vector<16xi32> to vector<1x16xi32>
    tpu.vector_store %arg11[%swap3A_352, %swap3A_353], %swap3A_356 {strides = array<i32>} : memref<8x128xi32, #tpu.memory_space<vmem>>, vector<1x16xi32>,
    %get3A_357 = arith.constant 304 : index
    %get3A_358 = tpu.vector_load %arg9[%get3A_357] {strides = array<i32>} : memref<1024xi32, #tpu.memory_space<vmem>>, vector<16xi32>,
    %get3A_359 = vector.shape_cast %get3A_358 : vector<16xi32> to vector<16xi32>
    %get3A_360 = arith.constant 304 : index
    %get3A_361 = tpu.vector_load %arg10[%get3A_360] {strides = array<i32>} : memref<1024xi32, #tpu.memory_space<vmem>>, vector<16xi32>,
    %get3A_362 = vector.shape_cast %get3A_361 : vector<16xi32> to vector<16xi32>
    %mul3A_363 = arith.constant 512 : i32
    %mul3A_364 = vector.broadcast %mul3A_363 : i32 to vector<16xi32>
    %mul3A_365 = arith.muli %get3A_359, %mul3A_364 : vector<16xi32>
    %add3A_366 = arith.addi %mul3A_365, %get3A_362 : vector<16xi32>
    %swap3A_367 = arith.constant 2 : i32
    %swap3A_368 = arith.index_cast %swap3A_367 : i32 to index
    %swap3A_369 = arith.constant 48 : index
    %swap3A_370 = tpu.vector_load %arg11[%swap3A_368, %swap3A_369] {strides = array<i32>} : memref<8x128xi32, #tpu.memory_space<vmem>>, vector<1x16xi32>,
    %swap3A_371 = vector.shape_cast %swap3A_370 : vector<1x16xi32> to vector<16xi32>
    %swap3A_372 = vector.shape_cast %add3A_366 : vector<16xi32> to vector<1x16xi32>
    tpu.vector_store %arg11[%swap3A_368, %swap3A_369], %swap3A_372 {strides = array<i32>} : memref<8x128xi32, #tpu.memory_space<vmem>>, vector<1x16xi32>,
    %get3A_373 = arith.constant 320 : index
    %get3A_374 = tpu.vector_load %arg9[%get3A_373] {strides = array<i32>} : memref<1024xi32, #tpu.memory_space<vmem>>, vector<16xi32>,
    %get3A_375 = vector.shape_cast %get3A_374 : vector<16xi32> to vector<16xi32>
    %get3A_376 = arith.constant 320 : index
    %get3A_377 = tpu.vector_load %arg10[%get3A_376] {strides = array<i32>} : memref<1024xi32, #tpu.memory_space<vmem>>, vector<16xi32>,
    %get3A_378 = vector.shape_cast %get3A_377 : vector<16xi32> to vector<16xi32>
    %mul3A_379 = arith.constant 512 : i32
    %mul3A_380 = vector.broadcast %mul3A_379 : i32 to vector<16xi32>
    %mul3A_381 = arith.muli %get3A_375, %mul3A_380 : vector<16xi32>
    %add3A_382 = arith.addi %mul3A_381, %get3A_378 : vector<16xi32>
    %swap3A_383 = arith.constant 2 : i32
    %swap3A_384 = arith.index_cast %swap3A_383 : i32 to index
    %swap3A_385 = arith.constant 64 : index
    %swap3A_386 = tpu.vector_load %arg11[%swap3A_384, %swap3A_385] {strides = array<i32>} : memref<8x128xi32, #tpu.memory_space<vmem>>, vector<1x16xi32>,
    %swap3A_387 = vector.shape_cast %swap3A_386 : vector<1x16xi32> to vector<16xi32>
    %swap3A_388 = vector.shape_cast %add3A_382 : vector<16xi32> to vector<1x16xi32>
    tpu.vector_store %arg11[%swap3A_384, %swap3A_385], %swap3A_388 {strides = array<i32>} : memref<8x128xi32, #tpu.memory_space<vmem>>, vector<1x16xi32>,
    %get3A_389 = arith.constant 336 : index
    %get3A_390 = tpu.vector_load %arg9[%get3A_389] {strides = array<i32>} : memref<1024xi32, #tpu.memory_space<vmem>>, vector<16xi32>,
    %get3A_391 = vector.shape_cast %get3A_390 : vector<16xi32> to vector<16xi32>
    %get3A_392 = arith.constant 336 : index
    %get3A_393 = tpu.vector_load %arg10[%get3A_392] {strides = array<i32>} : memref<1024xi32, #tpu.memory_space<vmem>>, vector<16xi32>,
    %get3A_394 = vector.shape_cast %get3A_393 : vector<16xi32> to vector<16xi32>
    %mul3A_395 = arith.constant 512 : i32
    %mul3A_396 = vector.broadcast %mul3A_395 : i32 to vector<16xi32>
    %mul3A_397 = arith.muli %get3A_391, %mul3A_396 : vector<16xi32>
    %add3A_398 = arith.addi %mul3A_397, %get3A_394 : vector<16xi32>
    %swap3A_399 = arith.constant 2 : i32
    %swap3A_400 = arith.index_cast %swap3A_399 : i32 to index
    %swap3A_401 = arith.constant 80 : index
    %swap3A_402 = tpu.vector_load %arg11[%swap3A_400, %swap3A_401] {strides = array<i32>} : memref<8x128xi32, #tpu.memory_space<vmem>>, vector<1x16xi32>,
    %swap3A_403 = vector.shape_cast %swap3A_402 : vector<1x16xi32> to vector<16xi32>
    %swap3A_404 = vector.shape_cast %add3A_398 : vector<16xi32> to vector<1x16xi32>
    tpu.vector_store %arg11[%swap3A_400, %swap3A_401], %swap3A_404 {strides = array<i32>} : memref<8x128xi32, #tpu.memory_space<vmem>>, vector<1x16xi32>,
    %get3A_405 = arith.constant 352 : index
    %get3A_406 = tpu.vector_load %arg9[%get3A_405] {strides = array<i32>} : memref<1024xi32, #tpu.memory_space<vmem>>, vector<16xi32>,
    %get3A_407 = vector.shape_cast %get3A_406 : vector<16xi32> to vector<16xi32>
    %get3A_408 = arith.constant 352 : index
    %get3A_409 = tpu.vector_load %arg10[%get3A_408] {strides = array<i32>} : memref<1024xi32, #tpu.memory_space<vmem>>, vector<16xi32>,
    %get3A_410 = vector.shape_cast %get3A_409 : vector<16xi32> to vector<16xi32>
    %mul3A_411 = arith.constant 512 : i32
    %mul3A_412 = vector.broadcast %mul3A_411 : i32 to vector<16xi32>
    %mul3A_413 = arith.muli %get3A_407, %mul3A_412 : vector<16xi32>
    %add3A_414 = arith.addi %mul3A_413, %get3A_410 : vector<16xi32>
    %swap3A_415 = arith.constant 2 : i32
    %swap3A_416 = arith.index_cast %swap3A_415 : i32 to index
    %swap3A_417 = arith.constant 96 : index
    %swap3A_418 = tpu.vector_load %arg11[%swap3A_416, %swap3A_417] {strides = array<i32>} : memref<8x128xi32, #tpu.memory_space<vmem>>, vector<1x16xi32>,
    %swap3A_419 = vector.shape_cast %swap3A_418 : vector<1x16xi32> to vector<16xi32>
    %swap3A_420 = vector.shape_cast %add3A_414 : vector<16xi32> to vector<1x16xi32>
    tpu.vector_store %arg11[%swap3A_416, %swap3A_417], %swap3A_420 {strides = array<i32>} : memref<8x128xi32, #tpu.memory_space<vmem>>, vector<1x16xi32>,
    %get3A_421 = arith.constant 368 : index
    %get3A_422 = tpu.vector_load %arg9[%get3A_421] {strides = array<i32>} : memref<1024xi32, #tpu.memory_space<vmem>>, vector<16xi32>,
    %get3A_423 = vector.shape_cast %get3A_422 : vector<16xi32> to vector<16xi32>
    %get3A_424 = arith.constant 368 : index
    %get3A_425 = tpu.vector_load %arg10[%get3A_424] {strides = array<i32>} : memref<1024xi32, #tpu.memory_space<vmem>>, vector<16xi32>,
    %get3A_426 = vector.shape_cast %get3A_425 : vector<16xi32> to vector<16xi32>
    %mul3A_427 = arith.constant 512 : i32
    %mul3A_428 = vector.broadcast %mul3A_427 : i32 to vector<16xi32>
    %mul3A_429 = arith.muli %get3A_423, %mul3A_428 : vector<16xi32>
    %add3A_430 = arith.addi %mul3A_429, %get3A_426 : vector<16xi32>
    %swap3A_431 = arith.constant 2 : i32
    %swap3A_432 = arith.index_cast %swap3A_431 : i32 to index
    %swap3A_433 = arith.constant 112 : index
    %swap3A_434 = tpu.vector_load %arg11[%swap3A_432, %swap3A_433] {strides = array<i32>} : memref<8x128xi32, #tpu.memory_space<vmem>>, vector<1x16xi32>,
    %swap3A_435 = vector.shape_cast %swap3A_434 : vector<1x16xi32> to vector<16xi32>
    %swap3A_436 = vector.shape_cast %add3A_430 : vector<16xi32> to vector<1x16xi32>
    tpu.vector_store %arg11[%swap3A_432, %swap3A_433], %swap3A_436 {strides = array<i32>} : memref<8x128xi32, #tpu.memory_space<vmem>>, vector<1x16xi32>,
    %get3A_437 = arith.constant 384 : index
    %get3A_438 = tpu.vector_load %arg9[%get3A_437] {strides = array<i32>} : memref<1024xi32, #tpu.memory_space<vmem>>, vector<16xi32>,
    %get3A_439 = vector.shape_cast %get3A_438 : vector<16xi32> to vector<16xi32>
    %get3A_440 = arith.constant 384 : index
    %get3A_441 = tpu.vector_load %arg10[%get3A_440] {strides = array<i32>} : memref<1024xi32, #tpu.memory_space<vmem>>, vector<16xi32>,
    %get3A_442 = vector.shape_cast %get3A_441 : vector<16xi32> to vector<16xi32>
    %mul3A_443 = arith.constant 512 : i32
    %mul3A_444 = vector.broadcast %mul3A_443 : i32 to vector<16xi32>
    %mul3A_445 = arith.muli %get3A_439, %mul3A_444 : vector<16xi32>
    %add3A_446 = arith.addi %mul3A_445, %get3A_442 : vector<16xi32>
    %swap3A_447 = arith.constant 3 : i32
    %swap3A_448 = arith.index_cast %swap3A_447 : i32 to index
    %swap3A_449 = arith.constant 0 : index
    %swap3A_450 = tpu.vector_load %arg11[%swap3A_448, %swap3A_449] {strides = array<i32>} : memref<8x128xi32, #tpu.memory_space<vmem>>, vector<1x16xi32>,
    %swap3A_451 = vector.shape_cast %swap3A_450 : vector<1x16xi32> to vector<16xi32>
    %swap3A_452 = vector.shape_cast %add3A_446 : vector<16xi32> to vector<1x16xi32>
    tpu.vector_store %arg11[%swap3A_448, %swap3A_449], %swap3A_452 {strides = array<i32>} : memref<8x128xi32, #tpu.memory_space<vmem>>, vector<1x16xi32>,
    %get3A_453 = arith.constant 400 : index
    %get3A_454 = tpu.vector_load %arg9[%get3A_453] {strides = array<i32>} : memref<1024xi32, #tpu.memory_space<vmem>>, vector<16xi32>,
    %get3A_455 = vector.shape_cast %get3A_454 : vector<16xi32> to vector<16xi32>
    %get3A_456 = arith.constant 400 : index
    %get3A_457 = tpu.vector_load %arg10[%get3A_456] {strides = array<i32>} : memref<1024xi32, #tpu.memory_space<vmem>>, vector<16xi32>,
    %get3A_458 = vector.shape_cast %get3A_457 : vector<16xi32> to vector<16xi32>
    %mul3A_459 = arith.constant 512 : i32
    %mul3A_460 = vector.broadcast %mul3A_459 : i32 to vector<16xi32>
    %mul3A_461 = arith.muli %get3A_455, %mul3A_460 : vector<16xi32>
    %add3A_462 = arith.addi %mul3A_461, %get3A_458 : vector<16xi32>
    %swap3A_463 = arith.constant 3 : i32
    %swap3A_464 = arith.index_cast %swap3A_463 : i32 to index
    %swap3A_465 = arith.constant 16 : index
    %swap3A_466 = tpu.vector_load %arg11[%swap3A_464, %swap3A_465] {strides = array<i32>} : memref<8x128xi32, #tpu.memory_space<vmem>>, vector<1x16xi32>,
    %swap3A_467 = vector.shape_cast %swap3A_466 : vector<1x16xi32> to vector<16xi32>
    %swap3A_468 = vector.shape_cast %add3A_462 : vector<16xi32> to vector<1x16xi32>
    tpu.vector_store %arg11[%swap3A_464, %swap3A_465], %swap3A_468 {strides = array<i32>} : memref<8x128xi32, #tpu.memory_space<vmem>>, vector<1x16xi32>,
    %get3A_469 = arith.constant 416 : index
    %get3A_470 = tpu.vector_load %arg9[%get3A_469] {strides = array<i32>} : memref<1024xi32, #tpu.memory_space<vmem>>, vector<16xi32>,
    %get3A_471 = vector.shape_cast %get3A_470 : vector<16xi32> to vector<16xi32>
    %get3A_472 = arith.constant 416 : index
    %get3A_473 = tpu.vector_load %arg10[%get3A_472] {strides = array<i32>} : memref<1024xi32, #tpu.memory_space<vmem>>, vector<16xi32>,
    %get3A_474 = vector.shape_cast %get3A_473 : vector<16xi32> to vector<16xi32>
    %mul3A_475 = arith.constant 512 : i32
    %mul3A_476 = vector.broadcast %mul3A_475 : i32 to vector<16xi32>
    %mul3A_477 = arith.muli %get3A_471, %mul3A_476 : vector<16xi32>
    %add3A_478 = arith.addi %mul3A_477, %get3A_474 : vector<16xi32>
    %swap3A_479 = arith.constant 3 : i32
    %swap3A_480 = arith.index_cast %swap3A_479 : i32 to index
    %swap3A_481 = arith.constant 32 : index
    %swap3A_482 = tpu.vector_load %arg11[%swap3A_480, %swap3A_481] {strides = array<i32>} : memref<8x128xi32, #tpu.memory_space<vmem>>, vector<1x16xi32>,
    %swap3A_483 = vector.shape_cast %swap3A_482 : vector<1x16xi32> to vector<16xi32>
    %swap3A_484 = vector.shape_cast %add3A_478 : vector<16xi32> to vector<1x16xi32>
    tpu.vector_store %arg11[%swap3A_480, %swap3A_481], %swap3A_484 {strides = array<i32>} : memref<8x128xi32, #tpu.memory_space<vmem>>, vector<1x16xi32>,
    %get3A_485 = arith.constant 432 : index
    %get3A_486 = tpu.vector_load %arg9[%get3A_485] {strides = array<i32>} : memref<1024xi32, #tpu.memory_space<vmem>>, vector<16xi32>,
    %get3A_487 = vector.shape_cast %get3A_486 : vector<16xi32> to vector<16xi32>
    %get3A_488 = arith.constant 432 : index
    %get3A_489 = tpu.vector_load %arg10[%get3A_488] {strides = array<i32>} : memref<1024xi32, #tpu.memory_space<vmem>>, vector<16xi32>,
    %get3A_490 = vector.shape_cast %get3A_489 : vector<16xi32> to vector<16xi32>
    %mul3A_491 = arith.constant 512 : i32
    %mul3A_492 = vector.broadcast %mul3A_491 : i32 to vector<16xi32>
    %mul3A_493 = arith.muli %get3A_487, %mul3A_492 : vector<16xi32>
    %add3A_494 = arith.addi %mul3A_493, %get3A_490 : vector<16xi32>
    %swap3A_495 = arith.constant 3 : i32
    %swap3A_496 = arith.index_cast %swap3A_495 : i32 to index
    %swap3A_497 = arith.constant 48 : index
    %swap3A_498 = tpu.vector_load %arg11[%swap3A_496, %swap3A_497] {strides = array<i32>} : memref<8x128xi32, #tpu.memory_space<vmem>>, vector<1x16xi32>,
    %swap3A_499 = vector.shape_cast %swap3A_498 : vector<1x16xi32> to vector<16xi32>
    %swap3A_500 = vector.shape_cast %add3A_494 : vector<16xi32> to vector<1x16xi32>
    tpu.vector_store %arg11[%swap3A_496, %swap3A_497], %swap3A_500 {strides = array<i32>} : memref<8x128xi32, #tpu.memory_space<vmem>>, vector<1x16xi32>,
    %get3A_501 = arith.constant 448 : index
    %get3A_502 = tpu.vector_load %arg9[%get3A_501] {strides = array<i32>} : memref<1024xi32, #tpu.memory_space<vmem>>, vector<16xi32>,
    %get3A_503 = vector.shape_cast %get3A_502 : vector<16xi32> to vector<16xi32>
    %get3A_504 = arith.constant 448 : index
    %get3A_505 = tpu.vector_load %arg10[%get3A_504] {strides = array<i32>} : memref<1024xi32, #tpu.memory_space<vmem>>, vector<16xi32>,
    %get3A_506 = vector.shape_cast %get3A_505 : vector<16xi32> to vector<16xi32>
    %mul3A_507 = arith.constant 512 : i32
    %mul3A_508 = vector.broadcast %mul3A_507 : i32 to vector<16xi32>
    %mul3A_509 = arith.muli %get3A_503, %mul3A_508 : vector<16xi32>
    %add3A_510 = arith.addi %mul3A_509, %get3A_506 : vector<16xi32>
    %swap3A_511 = arith.constant 3 : i32
    %swap3A_512 = arith.index_cast %swap3A_511 : i32 to index
    %swap3A_513 = arith.constant 64 : index
    %swap3A_514 = tpu.vector_load %arg11[%swap3A_512, %swap3A_513] {strides = array<i32>} : memref<8x128xi32, #tpu.memory_space<vmem>>, vector<1x16xi32>,
    %swap3A_515 = vector.shape_cast %swap3A_514 : vector<1x16xi32> to vector<16xi32>
    %swap3A_516 = vector.shape_cast %add3A_510 : vector<16xi32> to vector<1x16xi32>
    tpu.vector_store %arg11[%swap3A_512, %swap3A_513], %swap3A_516 {strides = array<i32>} : memref<8x128xi32, #tpu.memory_space<vmem>>, vector<1x16xi32>,
    %get3A_517 = arith.constant 464 : index
    %get3A_518 = tpu.vector_load %arg9[%get3A_517] {strides = array<i32>} : memref<1024xi32, #tpu.memory_space<vmem>>, vector<16xi32>,
    %get3A_519 = vector.shape_cast %get3A_518 : vector<16xi32> to vector<16xi32>
    %get3A_520 = arith.constant 464 : index
    %get3A_521 = tpu.vector_load %arg10[%get3A_520] {strides = array<i32>} : memref<1024xi32, #tpu.memory_space<vmem>>, vector<16xi32>,
    %get3A_522 = vector.shape_cast %get3A_521 : vector<16xi32> to vector<16xi32>
    %mul3A_523 = arith.constant 512 : i32
    %mul3A_524 = vector.broadcast %mul3A_523 : i32 to vector<16xi32>
    %mul3A_525 = arith.muli %get3A_519, %mul3A_524 : vector<16xi32>
    %add3A_526 = arith.addi %mul3A_525, %get3A_522 : vector<16xi32>
    %swap3A_527 = arith.constant 3 : i32
    %swap3A_528 = arith.index_cast %swap3A_527 : i32 to index
    %swap3A_529 = arith.constant 80 : index
    %swap3A_530 = tpu.vector_load %arg11[%swap3A_528, %swap3A_529] {strides = array<i32>} : memref<8x128xi32, #tpu.memory_space<vmem>>, vector<1x16xi32>,
    %swap3A_531 = vector.shape_cast %swap3A_530 : vector<1x16xi32> to vector<16xi32>
    %swap3A_532 = vector.shape_cast %add3A_526 : vector<16xi32> to vector<1x16xi32>
    tpu.vector_store %arg11[%swap3A_528, %swap3A_529], %swap3A_532 {strides = array<i32>} : memref<8x128xi32, #tpu.memory_space<vmem>>, vector<1x16xi32>,
    %get3A_533 = arith.constant 480 : index
    %get3A_534 = tpu.vector_load %arg9[%get3A_533] {strides = array<i32>} : memref<1024xi32, #tpu.memory_space<vmem>>, vector<16xi32>,
    %get3A_535 = vector.shape_cast %get3A_534 : vector<16xi32> to vector<16xi32>
    %get3A_536 = arith.constant 480 : index
    %get3A_537 = tpu.vector_load %arg10[%get3A_536] {strides = array<i32>} : memref<1024xi32, #tpu.memory_space<vmem>>, vector<16xi32>,
    %get3A_538 = vector.shape_cast %get3A_537 : vector<16xi32> to vector<16xi32>
    %mul3A_539 = arith.constant 512 : i32
    %mul3A_540 = vector.broadcast %mul3A_539 : i32 to vector<16xi32>
    %mul3A_541 = arith.muli %get3A_535, %mul3A_540 : vector<16xi32>
    %add3A_542 = arith.addi %mul3A_541, %get3A_538 : vector<16xi32>
    %swap3A_543 = arith.constant 3 : i32
    %swap3A_544 = arith.index_cast %swap3A_543 : i32 to index
    %swap3A_545 = arith.constant 96 : index
    %swap3A_546 = tpu.vector_load %arg11[%swap3A_544, %swap3A_545] {strides = array<i32>} : memref<8x128xi32, #tpu.memory_space<vmem>>, vector<1x16xi32>,
    %swap3A_547 = vector.shape_cast %swap3A_546 : vector<1x16xi32> to vector<16xi32>
    %swap3A_548 = vector.shape_cast %add3A_542 : vector<16xi32> to vector<1x16xi32>
    tpu.vector_store %arg11[%swap3A_544, %swap3A_545], %swap3A_548 {strides = array<i32>} : memref<8x128xi32, #tpu.memory_space<vmem>>, vector<1x16xi32>,
    %get3A_549 = arith.constant 496 : index
    %get3A_550 = tpu.vector_load %arg9[%get3A_549] {strides = array<i32>} : memref<1024xi32, #tpu.memory_space<vmem>>, vector<16xi32>,
    %get3A_551 = vector.shape_cast %get3A_550 : vector<16xi32> to vector<16xi32>
    %get3A_552 = arith.constant 496 : index
    %get3A_553 = tpu.vector_load %arg10[%get3A_552] {strides = array<i32>} : memref<1024xi32, #tpu.memory_space<vmem>>, vector<16xi32>,
    %get3A_554 = vector.shape_cast %get3A_553 : vector<16xi32> to vector<16xi32>
    %mul3A_555 = arith.constant 512 : i32
    %mul3A_556 = vector.broadcast %mul3A_555 : i32 to vector<16xi32>
    %mul3A_557 = arith.muli %get3A_551, %mul3A_556 : vector<16xi32>
    %add3A_558 = arith.addi %mul3A_557, %get3A_554 : vector<16xi32>
    %swap3A_559 = arith.constant 3 : i32
    %swap3A_560 = arith.index_cast %swap3A_559 : i32 to index
    %swap3A_561 = arith.constant 112 : index
    %swap3A_562 = tpu.vector_load %arg11[%swap3A_560, %swap3A_561] {strides = array<i32>} : memref<8x128xi32, #tpu.memory_space<vmem>>, vector<1x16xi32>,
    %swap3A_563 = vector.shape_cast %swap3A_562 : vector<1x16xi32> to vector<16xi32>
    %swap3A_564 = vector.shape_cast %add3A_558 : vector<16xi32> to vector<1x16xi32>
    tpu.vector_store %arg11[%swap3A_560, %swap3A_561], %swap3A_564 {strides = array<i32>} : memref<8x128xi32, #tpu.memory_space<vmem>>, vector<1x16xi32>,
    %get3A_565 = arith.constant 512 : index
    %get3A_566 = tpu.vector_load %arg9[%get3A_565] {strides = array<i32>} : memref<1024xi32, #tpu.memory_space<vmem>>, vector<16xi32>,
    %get3A_567 = vector.shape_cast %get3A_566 : vector<16xi32> to vector<16xi32>
    %get3A_568 = arith.constant 512 : index
    %get3A_569 = tpu.vector_load %arg10[%get3A_568] {strides = array<i32>} : memref<1024xi32, #tpu.memory_space<vmem>>, vector<16xi32>,
    %get3A_570 = vector.shape_cast %get3A_569 : vector<16xi32> to vector<16xi32>
    %mul3A_571 = arith.constant 512 : i32
    %mul3A_572 = vector.broadcast %mul3A_571 : i32 to vector<16xi32>
    %mul3A_573 = arith.muli %get3A_567, %mul3A_572 : vector<16xi32>
    %add3A_574 = arith.addi %mul3A_573, %get3A_570 : vector<16xi32>
    %swap3A_575 = arith.constant 4 : i32
    %swap3A_576 = arith.index_cast %swap3A_575 : i32 to index
    %swap3A_577 = arith.constant 0 : index
    %swap3A_578 = tpu.vector_load %arg11[%swap3A_576, %swap3A_577] {strides = array<i32>} : memref<8x128xi32, #tpu.memory_space<vmem>>, vector<1x16xi32>,
    %swap3A_579 = vector.shape_cast %swap3A_578 : vector<1x16xi32> to vector<16xi32>
    %swap3A_580 = vector.shape_cast %add3A_574 : vector<16xi32> to vector<1x16xi32>
    tpu.vector_store %arg11[%swap3A_576, %swap3A_577], %swap3A_580 {strides = array<i32>} : memref<8x128xi32, #tpu.memory_space<vmem>>, vector<1x16xi32>,
    %get3A_581 = arith.constant 528 : index
    %get3A_582 = tpu.vector_load %arg9[%get3A_581] {strides = array<i32>} : memref<1024xi32, #tpu.memory_space<vmem>>, vector<16xi32>,
    %get3A_583 = vector.shape_cast %get3A_582 : vector<16xi32> to vector<16xi32>
    %get3A_584 = arith.constant 528 : index
    %get3A_585 = tpu.vector_load %arg10[%get3A_584] {strides = array<i32>} : memref<1024xi32, #tpu.memory_space<vmem>>, vector<16xi32>,
    %get3A_586 = vector.shape_cast %get3A_585 : vector<16xi32> to vector<16xi32>
    %mul3A_587 = arith.constant 512 : i32
    %mul3A_588 = vector.broadcast %mul3A_587 : i32 to vector<16xi32>
    %mul3A_589 = arith.muli %get3A_583, %mul3A_588 : vector<16xi32>
    %add3A_590 = arith.addi %mul3A_589, %get3A_586 : vector<16xi32>
    %swap3A_591 = arith.constant 4 : i32
    %swap3A_592 = arith.index_cast %swap3A_591 : i32 to index
    %swap3A_593 = arith.constant 16 : index
    %swap3A_594 = tpu.vector_load %arg11[%swap3A_592, %swap3A_593] {strides = array<i32>} : memref<8x128xi32, #tpu.memory_space<vmem>>, vector<1x16xi32>,
    %swap3A_595 = vector.shape_cast %swap3A_594 : vector<1x16xi32> to vector<16xi32>
    %swap3A_596 = vector.shape_cast %add3A_590 : vector<16xi32> to vector<1x16xi32>
    tpu.vector_store %arg11[%swap3A_592, %swap3A_593], %swap3A_596 {strides = array<i32>} : memref<8x128xi32, #tpu.memory_space<vmem>>, vector<1x16xi32>,
    %get3A_597 = arith.constant 544 : index
    %get3A_598 = tpu.vector_load %arg9[%get3A_597] {strides = array<i32>} : memref<1024xi32, #tpu.memory_space<vmem>>, vector<16xi32>,
    %get3A_599 = vector.shape_cast %get3A_598 : vector<16xi32> to vector<16xi32>
    %get3A_600 = arith.constant 544 : index
    %get3A_601 = tpu.vector_load %arg10[%get3A_600] {strides = array<i32>} : memref<1024xi32, #tpu.memory_space<vmem>>, vector<16xi32>,
    %get3A_602 = vector.shape_cast %get3A_601 : vector<16xi32> to vector<16xi32>
    %mul3A_603 = arith.constant 512 : i32
    %mul3A_604 = vector.broadcast %mul3A_603 : i32 to vector<16xi32>
    %mul3A_605 = arith.muli %get3A_599, %mul3A_604 : vector<16xi32>
    %add3A_606 = arith.addi %mul3A_605, %get3A_602 : vector<16xi32>
    %swap3A_607 = arith.constant 4 : i32
    %swap3A_608 = arith.index_cast %swap3A_607 : i32 to index
    %swap3A_609 = arith.constant 32 : index
    %swap3A_610 = tpu.vector_load %arg11[%swap3A_608, %swap3A_609] {strides = array<i32>} : memref<8x128xi32, #tpu.memory_space<vmem>>, vector<1x16xi32>,
    %swap3A_611 = vector.shape_cast %swap3A_610 : vector<1x16xi32> to vector<16xi32>
    %swap3A_612 = vector.shape_cast %add3A_606 : vector<16xi32> to vector<1x16xi32>
    tpu.vector_store %arg11[%swap3A_608, %swap3A_609], %swap3A_612 {strides = array<i32>} : memref<8x128xi32, #tpu.memory_space<vmem>>, vector<1x16xi32>,
    %get3A_613 = arith.constant 560 : index
    %get3A_614 = tpu.vector_load %arg9[%get3A_613] {strides = array<i32>} : memref<1024xi32, #tpu.memory_space<vmem>>, vector<16xi32>,
    %get3A_615 = vector.shape_cast %get3A_614 : vector<16xi32> to vector<16xi32>
    %get3A_616 = arith.constant 560 : index
    %get3A_617 = tpu.vector_load %arg10[%get3A_616] {strides = array<i32>} : memref<1024xi32, #tpu.memory_space<vmem>>, vector<16xi32>,
    %get3A_618 = vector.shape_cast %get3A_617 : vector<16xi32> to vector<16xi32>
    %mul3A_619 = arith.constant 512 : i32
    %mul3A_620 = vector.broadcast %mul3A_619 : i32 to vector<16xi32>
    %mul3A_621 = arith.muli %get3A_615, %mul3A_620 : vector<16xi32>
    %add3A_622 = arith.addi %mul3A_621, %get3A_618 : vector<16xi32>
    %swap3A_623 = arith.constant 4 : i32
    %swap3A_624 = arith.index_cast %swap3A_623 : i32 to index
    %swap3A_625 = arith.constant 48 : index
    %swap3A_626 = tpu.vector_load %arg11[%swap3A_624, %swap3A_625] {strides = array<i32>} : memref<8x128xi32, #tpu.memory_space<vmem>>, vector<1x16xi32>,
    %swap3A_627 = vector.shape_cast %swap3A_626 : vector<1x16xi32> to vector<16xi32>
    %swap3A_628 = vector.shape_cast %add3A_622 : vector<16xi32> to vector<1x16xi32>
    tpu.vector_store %arg11[%swap3A_624, %swap3A_625], %swap3A_628 {strides = array<i32>} : memref<8x128xi32, #tpu.memory_space<vmem>>, vector<1x16xi32>,
    %get3A_629 = arith.constant 576 : index
    %get3A_630 = tpu.vector_load %arg9[%get3A_629] {strides = array<i32>} : memref<1024xi32, #tpu.memory_space<vmem>>, vector<16xi32>,
    %get3A_631 = vector.shape_cast %get3A_630 : vector<16xi32> to vector<16xi32>
    %get3A_632 = arith.constant 576 : index
    %get3A_633 = tpu.vector_load %arg10[%get3A_632] {strides = array<i32>} : memref<1024xi32, #tpu.memory_space<vmem>>, vector<16xi32>,
    %get3A_634 = vector.shape_cast %get3A_633 : vector<16xi32> to vector<16xi32>
    %mul3A_635 = arith.constant 512 : i32
    %mul3A_636 = vector.broadcast %mul3A_635 : i32 to vector<16xi32>
    %mul3A_637 = arith.muli %get3A_631, %mul3A_636 : vector<16xi32>
    %add3A_638 = arith.addi %mul3A_637, %get3A_634 : vector<16xi32>
    %swap3A_639 = arith.constant 4 : i32
    %swap3A_640 = arith.index_cast %swap3A_639 : i32 to index
    %swap3A_641 = arith.constant 64 : index
    %swap3A_642 = tpu.vector_load %arg11[%swap3A_640, %swap3A_641] {strides = array<i32>} : memref<8x128xi32, #tpu.memory_space<vmem>>, vector<1x16xi32>,
    %swap3A_643 = vector.shape_cast %swap3A_642 : vector<1x16xi32> to vector<16xi32>
    %swap3A_644 = vector.shape_cast %add3A_638 : vector<16xi32> to vector<1x16xi32>
    tpu.vector_store %arg11[%swap3A_640, %swap3A_641], %swap3A_644 {strides = array<i32>} : memref<8x128xi32, #tpu.memory_space<vmem>>, vector<1x16xi32>,
    %get3A_645 = arith.constant 592 : index
    %get3A_646 = tpu.vector_load %arg9[%get3A_645] {strides = array<i32>} : memref<1024xi32, #tpu.memory_space<vmem>>, vector<16xi32>,
    %get3A_647 = vector.shape_cast %get3A_646 : vector<16xi32> to vector<16xi32>
    %get3A_648 = arith.constant 592 : index
    %get3A_649 = tpu.vector_load %arg10[%get3A_648] {strides = array<i32>} : memref<1024xi32, #tpu.memory_space<vmem>>, vector<16xi32>,
    %get3A_650 = vector.shape_cast %get3A_649 : vector<16xi32> to vector<16xi32>
    %mul3A_651 = arith.constant 512 : i32
    %mul3A_652 = vector.broadcast %mul3A_651 : i32 to vector<16xi32>
    %mul3A_653 = arith.muli %get3A_647, %mul3A_652 : vector<16xi32>
    %add3A_654 = arith.addi %mul3A_653, %get3A_650 : vector<16xi32>
    %swap3A_655 = arith.constant 4 : i32
    %swap3A_656 = arith.index_cast %swap3A_655 : i32 to index
    %swap3A_657 = arith.constant 80 : index
    %swap3A_658 = tpu.vector_load %arg11[%swap3A_656, %swap3A_657] {strides = array<i32>} : memref<8x128xi32, #tpu.memory_space<vmem>>, vector<1x16xi32>,
    %swap3A_659 = vector.shape_cast %swap3A_658 : vector<1x16xi32> to vector<16xi32>
    %swap3A_660 = vector.shape_cast %add3A_654 : vector<16xi32> to vector<1x16xi32>
    tpu.vector_store %arg11[%swap3A_656, %swap3A_657], %swap3A_660 {strides = array<i32>} : memref<8x128xi32, #tpu.memory_space<vmem>>, vector<1x16xi32>,
    %get3A_661 = arith.constant 608 : index
    %get3A_662 = tpu.vector_load %arg9[%get3A_661] {strides = array<i32>} : memref<1024xi32, #tpu.memory_space<vmem>>, vector<16xi32>,
    %get3A_663 = vector.shape_cast %get3A_662 : vector<16xi32> to vector<16xi32>
    %get3A_664 = arith.constant 608 : index
    %get3A_665 = tpu.vector_load %arg10[%get3A_664] {strides = array<i32>} : memref<1024xi32, #tpu.memory_space<vmem>>, vector<16xi32>,
    %get3A_666 = vector.shape_cast %get3A_665 : vector<16xi32> to vector<16xi32>
    %mul3A_667 = arith.constant 512 : i32
    %mul3A_668 = vector.broadcast %mul3A_667 : i32 to vector<16xi32>
    %mul3A_669 = arith.muli %get3A_663, %mul3A_668 : vector<16xi32>
    %add3A_670 = arith.addi %mul3A_669, %get3A_666 : vector<16xi32>
    %swap3A_671 = arith.constant 4 : i32
    %swap3A_672 = arith.index_cast %swap3A_671 : i32 to index
    %swap3A_673 = arith.constant 96 : index
    %swap3A_674 = tpu.vector_load %arg11[%swap3A_672, %swap3A_673] {strides = array<i32>} : memref<8x128xi32, #tpu.memory_space<vmem>>, vector<1x16xi32>,
    %swap3A_675 = vector.shape_cast %swap3A_674 : vector<1x16xi32> to vector<16xi32>
    %swap3A_676 = vector.shape_cast %add3A_670 : vector<16xi32> to vector<1x16xi32>
    tpu.vector_store %arg11[%swap3A_672, %swap3A_673], %swap3A_676 {strides = array<i32>} : memref<8x128xi32, #tpu.memory_space<vmem>>, vector<1x16xi32>,
    %get3A_677 = arith.constant 624 : index
    %get3A_678 = tpu.vector_load %arg9[%get3A_677] {strides = array<i32>} : memref<1024xi32, #tpu.memory_space<vmem>>, vector<16xi32>,
    %get3A_679 = vector.shape_cast %get3A_678 : vector<16xi32> to vector<16xi32>
    %get3A_680 = arith.constant 624 : index
    %get3A_681 = tpu.vector_load %arg10[%get3A_680] {strides = array<i32>} : memref<1024xi32, #tpu.memory_space<vmem>>, vector<16xi32>,
    %get3A_682 = vector.shape_cast %get3A_681 : vector<16xi32> to vector<16xi32>
    %mul3A_683 = arith.constant 512 : i32
    %mul3A_684 = vector.broadcast %mul3A_683 : i32 to vector<16xi32>
    %mul3A_685 = arith.muli %get3A_679, %mul3A_684 : vector<16xi32>
    %add3A_686 = arith.addi %mul3A_685, %get3A_682 : vector<16xi32>
    %swap3A_687 = arith.constant 4 : i32
    %swap3A_688 = arith.index_cast %swap3A_687 : i32 to index
    %swap3A_689 = arith.constant 112 : index
    %swap3A_690 = tpu.vector_load %arg11[%swap3A_688, %swap3A_689] {strides = array<i32>} : memref<8x128xi32, #tpu.memory_space<vmem>>, vector<1x16xi32>,
    %swap3A_691 = vector.shape_cast %swap3A_690 : vector<1x16xi32> to vector<16xi32>
    %swap3A_692 = vector.shape_cast %add3A_686 : vector<16xi32> to vector<1x16xi32>
    tpu.vector_store %arg11[%swap3A_688, %swap3A_689], %swap3A_692 {strides = array<i32>} : memref<8x128xi32, #tpu.memory_space<vmem>>, vector<1x16xi32>,
    %get3A_693 = arith.constant 640 : index
    %get3A_694 = tpu.vector_load %arg9[%get3A_693] {strides = array<i32>} : memref<1024xi32, #tpu.memory_space<vmem>>, vector<16xi32>,
    %get3A_695 = vector.shape_cast %get3A_694 : vector<16xi32> to vector<16xi32>
    %get3A_696 = arith.constant 640 : index
    %get3A_697 = tpu.vector_load %arg10[%get3A_696] {strides = array<i32>} : memref<1024xi32, #tpu.memory_space<vmem>>, vector<16xi32>,
    %get3A_698 = vector.shape_cast %get3A_697 : vector<16xi32> to vector<16xi32>
    %mul3A_699 = arith.constant 512 : i32
    %mul3A_700 = vector.broadcast %mul3A_699 : i32 to vector<16xi32>
    %mul3A_701 = arith.muli %get3A_695, %mul3A_700 : vector<16xi32>
    %add3A_702 = arith.addi %mul3A_701, %get3A_698 : vector<16xi32>
    %swap3A_703 = arith.constant 5 : i32
    %swap3A_704 = arith.index_cast %swap3A_703 : i32 to index
    %swap3A_705 = arith.constant 0 : index
    %swap3A_706 = tpu.vector_load %arg11[%swap3A_704, %swap3A_705] {strides = array<i32>} : memref<8x128xi32, #tpu.memory_space<vmem>>, vector<1x16xi32>,
    %swap3A_707 = vector.shape_cast %swap3A_706 : vector<1x16xi32> to vector<16xi32>
    %swap3A_708 = vector.shape_cast %add3A_702 : vector<16xi32> to vector<1x16xi32>
    tpu.vector_store %arg11[%swap3A_704, %swap3A_705], %swap3A_708 {strides = array<i32>} : memref<8x128xi32, #tpu.memory_space<vmem>>, vector<1x16xi32>,
    %get3A_709 = arith.constant 656 : index
    %get3A_710 = tpu.vector_load %arg9[%get3A_709] {strides = array<i32>} : memref<1024xi32, #tpu.memory_space<vmem>>, vector<16xi32>,
    %get3A_711 = vector.shape_cast %get3A_710 : vector<16xi32> to vector<16xi32>
    %get3A_712 = arith.constant 656 : index
    %get3A_713 = tpu.vector_load %arg10[%get3A_712] {strides = array<i32>} : memref<1024xi32, #tpu.memory_space<vmem>>, vector<16xi32>,
    %get3A_714 = vector.shape_cast %get3A_713 : vector<16xi32> to vector<16xi32>
    %mul3A_715 = arith.constant 512 : i32
    %mul3A_716 = vector.broadcast %mul3A_715 : i32 to vector<16xi32>
    %mul3A_717 = arith.muli %get3A_711, %mul3A_716 : vector<16xi32>
    %add3A_718 = arith.addi %mul3A_717, %get3A_714 : vector<16xi32>
    %swap3A_719 = arith.constant 5 : i32
    %swap3A_720 = arith.index_cast %swap3A_719 : i32 to index
    %swap3A_721 = arith.constant 16 : index
    %swap3A_722 = tpu.vector_load %arg11[%swap3A_720, %swap3A_721] {strides = array<i32>} : memref<8x128xi32, #tpu.memory_space<vmem>>, vector<1x16xi32>,
    %swap3A_723 = vector.shape_cast %swap3A_722 : vector<1x16xi32> to vector<16xi32>
    %swap3A_724 = vector.shape_cast %add3A_718 : vector<16xi32> to vector<1x16xi32>
    tpu.vector_store %arg11[%swap3A_720, %swap3A_721], %swap3A_724 {strides = array<i32>} : memref<8x128xi32, #tpu.memory_space<vmem>>, vector<1x16xi32>,
    %get3A_725 = arith.constant 672 : index
    %get3A_726 = tpu.vector_load %arg9[%get3A_725] {strides = array<i32>} : memref<1024xi32, #tpu.memory_space<vmem>>, vector<16xi32>,
    %get3A_727 = vector.shape_cast %get3A_726 : vector<16xi32> to vector<16xi32>
    %get3A_728 = arith.constant 672 : index
    %get3A_729 = tpu.vector_load %arg10[%get3A_728] {strides = array<i32>} : memref<1024xi32, #tpu.memory_space<vmem>>, vector<16xi32>,
    %get3A_730 = vector.shape_cast %get3A_729 : vector<16xi32> to vector<16xi32>
    %mul3A_731 = arith.constant 512 : i32
    %mul3A_732 = vector.broadcast %mul3A_731 : i32 to vector<16xi32>
    %mul3A_733 = arith.muli %get3A_727, %mul3A_732 : vector<16xi32>
    %add3A_734 = arith.addi %mul3A_733, %get3A_730 : vector<16xi32>
    %swap3A_735 = arith.constant 5 : i32
    %swap3A_736 = arith.index_cast %swap3A_735 : i32 to index
    %swap3A_737 = arith.constant 32 : index
    %swap3A_738 = tpu.vector_load %arg11[%swap3A_736, %swap3A_737] {strides = array<i32>} : memref<8x128xi32, #tpu.memory_space<vmem>>, vector<1x16xi32>,
    %swap3A_739 = vector.shape_cast %swap3A_738 : vector<1x16xi32> to vector<16xi32>
    %swap3A_740 = vector.shape_cast %add3A_734 : vector<16xi32> to vector<1x16xi32>
    tpu.vector_store %arg11[%swap3A_736, %swap3A_737], %swap3A_740 {strides = array<i32>} : memref<8x128xi32, #tpu.memory_space<vmem>>, vector<1x16xi32>,
    %get3A_741 = arith.constant 688 : index
    %get3A_742 = tpu.vector_load %arg9[%get3A_741] {strides = array<i32>} : memref<1024xi32, #tpu.memory_space<vmem>>, vector<16xi32>,
    %get3A_743 = vector.shape_cast %get3A_742 : vector<16xi32> to vector<16xi32>
    %get3A_744 = arith.constant 688 : index
    %get3A_745 = tpu.vector_load %arg10[%get3A_744] {strides = array<i32>} : memref<1024xi32, #tpu.memory_space<vmem>>, vector<16xi32>,
    %get3A_746 = vector.shape_cast %get3A_745 : vector<16xi32> to vector<16xi32>
    %mul3A_747 = arith.constant 512 : i32
    %mul3A_748 = vector.broadcast %mul3A_747 : i32 to vector<16xi32>
    %mul3A_749 = arith.muli %get3A_743, %mul3A_748 : vector<16xi32>
    %add3A_750 = arith.addi %mul3A_749, %get3A_746 : vector<16xi32>
    %swap3A_751 = arith.constant 5 : i32
    %swap3A_752 = arith.index_cast %swap3A_751 : i32 to index
    %swap3A_753 = arith.constant 48 : index
    %swap3A_754 = tpu.vector_load %arg11[%swap3A_752, %swap3A_753] {strides = array<i32>} : memref<8x128xi32, #tpu.memory_space<vmem>>, vector<1x16xi32>,
    %swap3A_755 = vector.shape_cast %swap3A_754 : vector<1x16xi32> to vector<16xi32>
    %swap3A_756 = vector.shape_cast %add3A_750 : vector<16xi32> to vector<1x16xi32>
    tpu.vector_store %arg11[%swap3A_752, %swap3A_753], %swap3A_756 {strides = array<i32>} : memref<8x128xi32, #tpu.memory_space<vmem>>, vector<1x16xi32>,
    %get3A_757 = arith.constant 704 : index
    %get3A_758 = tpu.vector_load %arg9[%get3A_757] {strides = array<i32>} : memref<1024xi32, #tpu.memory_space<vmem>>, vector<16xi32>,
    %get3A_759 = vector.shape_cast %get3A_758 : vector<16xi32> to vector<16xi32>
    %get3A_760 = arith.constant 704 : index
    %get3A_761 = tpu.vector_load %arg10[%get3A_760] {strides = array<i32>} : memref<1024xi32, #tpu.memory_space<vmem>>, vector<16xi32>,
    %get3A_762 = vector.shape_cast %get3A_761 : vector<16xi32> to vector<16xi32>
    %mul3A_763 = arith.constant 512 : i32
    %mul3A_764 = vector.broadcast %mul3A_763 : i32 to vector<16xi32>
    %mul3A_765 = arith.muli %get3A_759, %mul3A_764 : vector<16xi32>
    %add3A_766 = arith.addi %mul3A_765, %get3A_762 : vector<16xi32>
    %swap3A_767 = arith.constant 5 : i32
    %swap3A_768 = arith.index_cast %swap3A_767 : i32 to index
    %swap3A_769 = arith.constant 64 : index
    %swap3A_770 = tpu.vector_load %arg11[%swap3A_768, %swap3A_769] {strides = array<i32>} : memref<8x128xi32, #tpu.memory_space<vmem>>, vector<1x16xi32>,
    %swap3A_771 = vector.shape_cast %swap3A_770 : vector<1x16xi32> to vector<16xi32>
    %swap3A_772 = vector.shape_cast %add3A_766 : vector<16xi32> to vector<1x16xi32>
    tpu.vector_store %arg11[%swap3A_768, %swap3A_769], %swap3A_772 {strides = array<i32>} : memref<8x128xi32, #tpu.memory_space<vmem>>, vector<1x16xi32>,
    %get3A_773 = arith.constant 720 : index
    %get3A_774 = tpu.vector_load %arg9[%get3A_773] {strides = array<i32>} : memref<1024xi32, #tpu.memory_space<vmem>>, vector<16xi32>,
    %get3A_775 = vector.shape_cast %get3A_774 : vector<16xi32> to vector<16xi32>
    %get3A_776 = arith.constant 720 : index
    %get3A_777 = tpu.vector_load %arg10[%get3A_776] {strides = array<i32>} : memref<1024xi32, #tpu.memory_space<vmem>>, vector<16xi32>,
    %get3A_778 = vector.shape_cast %get3A_777 : vector<16xi32> to vector<16xi32>
    %mul3A_779 = arith.constant 512 : i32
    %mul3A_780 = vector.broadcast %mul3A_779 : i32 to vector<16xi32>
    %mul3A_781 = arith.muli %get3A_775, %mul3A_780 : vector<16xi32>
    %add3A_782 = arith.addi %mul3A_781, %get3A_778 : vector<16xi32>
    %swap3A_783 = arith.constant 5 : i32
    %swap3A_784 = arith.index_cast %swap3A_783 : i32 to index
    %swap3A_785 = arith.constant 80 : index
    %swap3A_786 = tpu.vector_load %arg11[%swap3A_784, %swap3A_785] {strides = array<i32>} : memref<8x128xi32, #tpu.memory_space<vmem>>, vector<1x16xi32>,
    %swap3A_787 = vector.shape_cast %swap3A_786 : vector<1x16xi32> to vector<16xi32>
    %swap3A_788 = vector.shape_cast %add3A_782 : vector<16xi32> to vector<1x16xi32>
    tpu.vector_store %arg11[%swap3A_784, %swap3A_785], %swap3A_788 {strides = array<i32>} : memref<8x128xi32, #tpu.memory_space<vmem>>, vector<1x16xi32>,
    %get3A_789 = arith.constant 736 : index
    %get3A_790 = tpu.vector_load %arg9[%get3A_789] {strides = array<i32>} : memref<1024xi32, #tpu.memory_space<vmem>>, vector<16xi32>,
    %get3A_791 = vector.shape_cast %get3A_790 : vector<16xi32> to vector<16xi32>
    %get3A_792 = arith.constant 736 : index
    %get3A_793 = tpu.vector_load %arg10[%get3A_792] {strides = array<i32>} : memref<1024xi32, #tpu.memory_space<vmem>>, vector<16xi32>,
    %get3A_794 = vector.shape_cast %get3A_793 : vector<16xi32> to vector<16xi32>
    %mul3A_795 = arith.constant 512 : i32
    %mul3A_796 = vector.broadcast %mul3A_795 : i32 to vector<16xi32>
    %mul3A_797 = arith.muli %get3A_791, %mul3A_796 : vector<16xi32>
    %add3A_798 = arith.addi %mul3A_797, %get3A_794 : vector<16xi32>
    %swap3A_799 = arith.constant 5 : i32
    %swap3A_800 = arith.index_cast %swap3A_799 : i32 to index
    %swap3A_801 = arith.constant 96 : index
    %swap3A_802 = tpu.vector_load %arg11[%swap3A_800, %swap3A_801] {strides = array<i32>} : memref<8x128xi32, #tpu.memory_space<vmem>>, vector<1x16xi32>,
    %swap3A_803 = vector.shape_cast %swap3A_802 : vector<1x16xi32> to vector<16xi32>
    %swap3A_804 = vector.shape_cast %add3A_798 : vector<16xi32> to vector<1x16xi32>
    tpu.vector_store %arg11[%swap3A_800, %swap3A_801], %swap3A_804 {strides = array<i32>} : memref<8x128xi32, #tpu.memory_space<vmem>>, vector<1x16xi32>,
    %get3A_805 = arith.constant 752 : index
    %get3A_806 = tpu.vector_load %arg9[%get3A_805] {strides = array<i32>} : memref<1024xi32, #tpu.memory_space<vmem>>, vector<16xi32>,
    %get3A_807 = vector.shape_cast %get3A_806 : vector<16xi32> to vector<16xi32>
    %get3A_808 = arith.constant 752 : index
    %get3A_809 = tpu.vector_load %arg10[%get3A_808] {strides = array<i32>} : memref<1024xi32, #tpu.memory_space<vmem>>, vector<16xi32>,
    %get3A_810 = vector.shape_cast %get3A_809 : vector<16xi32> to vector<16xi32>
    %mul3A_811 = arith.constant 512 : i32
    %mul3A_812 = vector.broadcast %mul3A_811 : i32 to vector<16xi32>
    %mul3A_813 = arith.muli %get3A_807, %mul3A_812 : vector<16xi32>
    %add3A_814 = arith.addi %mul3A_813, %get3A_810 : vector<16xi32>
    %swap3A_815 = arith.constant 5 : i32
    %swap3A_816 = arith.index_cast %swap3A_815 : i32 to index
    %swap3A_817 = arith.constant 112 : index
    %swap3A_818 = tpu.vector_load %arg11[%swap3A_816, %swap3A_817] {strides = array<i32>} : memref<8x128xi32, #tpu.memory_space<vmem>>, vector<1x16xi32>,
    %swap3A_819 = vector.shape_cast %swap3A_818 : vector<1x16xi32> to vector<16xi32>
    %swap3A_820 = vector.shape_cast %add3A_814 : vector<16xi32> to vector<1x16xi32>
    tpu.vector_store %arg11[%swap3A_816, %swap3A_817], %swap3A_820 {strides = array<i32>} : memref<8x128xi32, #tpu.memory_space<vmem>>, vector<1x16xi32>,
    %get3A_821 = arith.constant 768 : index
    %get3A_822 = tpu.vector_load %arg9[%get3A_821] {strides = array<i32>} : memref<1024xi32, #tpu.memory_space<vmem>>, vector<16xi32>,
    %get3A_823 = vector.shape_cast %get3A_822 : vector<16xi32> to vector<16xi32>
    %get3A_824 = arith.constant 768 : index
    %get3A_825 = tpu.vector_load %arg10[%get3A_824] {strides = array<i32>} : memref<1024xi32, #tpu.memory_space<vmem>>, vector<16xi32>,
    %get3A_826 = vector.shape_cast %get3A_825 : vector<16xi32> to vector<16xi32>
    %mul3A_827 = arith.constant 512 : i32
    %mul3A_828 = vector.broadcast %mul3A_827 : i32 to vector<16xi32>
    %mul3A_829 = arith.muli %get3A_823, %mul3A_828 : vector<16xi32>
    %add3A_830 = arith.addi %mul3A_829, %get3A_826 : vector<16xi32>
    %swap3A_831 = arith.constant 6 : i32
    %swap3A_832 = arith.index_cast %swap3A_831 : i32 to index
    %swap3A_833 = arith.constant 0 : index
    %swap3A_834 = tpu.vector_load %arg11[%swap3A_832, %swap3A_833] {strides = array<i32>} : memref<8x128xi32, #tpu.memory_space<vmem>>, vector<1x16xi32>,
    %swap3A_835 = vector.shape_cast %swap3A_834 : vector<1x16xi32> to vector<16xi32>
    %swap3A_836 = vector.shape_cast %add3A_830 : vector<16xi32> to vector<1x16xi32>
    tpu.vector_store %arg11[%swap3A_832, %swap3A_833], %swap3A_836 {strides = array<i32>} : memref<8x128xi32, #tpu.memory_space<vmem>>, vector<1x16xi32>,
    %get3A_837 = arith.constant 784 : index
    %get3A_838 = tpu.vector_load %arg9[%get3A_837] {strides = array<i32>} : memref<1024xi32, #tpu.memory_space<vmem>>, vector<16xi32>,
    %get3A_839 = vector.shape_cast %get3A_838 : vector<16xi32> to vector<16xi32>
    %get3A_840 = arith.constant 784 : index
    %get3A_841 = tpu.vector_load %arg10[%get3A_840] {strides = array<i32>} : memref<1024xi32, #tpu.memory_space<vmem>>, vector<16xi32>,
    %get3A_842 = vector.shape_cast %get3A_841 : vector<16xi32> to vector<16xi32>
    %mul3A_843 = arith.constant 512 : i32
    %mul3A_844 = vector.broadcast %mul3A_843 : i32 to vector<16xi32>
    %mul3A_845 = arith.muli %get3A_839, %mul3A_844 : vector<16xi32>
    %add3A_846 = arith.addi %mul3A_845, %get3A_842 : vector<16xi32>
    %swap3A_847 = arith.constant 6 : i32
    %swap3A_848 = arith.index_cast %swap3A_847 : i32 to index
    %swap3A_849 = arith.constant 16 : index
    %swap3A_850 = tpu.vector_load %arg11[%swap3A_848, %swap3A_849] {strides = array<i32>} : memref<8x128xi32, #tpu.memory_space<vmem>>, vector<1x16xi32>,
    %swap3A_851 = vector.shape_cast %swap3A_850 : vector<1x16xi32> to vector<16xi32>
    %swap3A_852 = vector.shape_cast %add3A_846 : vector<16xi32> to vector<1x16xi32>
    tpu.vector_store %arg11[%swap3A_848, %swap3A_849], %swap3A_852 {strides = array<i32>} : memref<8x128xi32, #tpu.memory_space<vmem>>, vector<1x16xi32>,
    %get3A_853 = arith.constant 800 : index
    %get3A_854 = tpu.vector_load %arg9[%get3A_853] {strides = array<i32>} : memref<1024xi32, #tpu.memory_space<vmem>>, vector<16xi32>,
    %get3A_855 = vector.shape_cast %get3A_854 : vector<16xi32> to vector<16xi32>
    %get3A_856 = arith.constant 800 : index
    %get3A_857 = tpu.vector_load %arg10[%get3A_856] {strides = array<i32>} : memref<1024xi32, #tpu.memory_space<vmem>>, vector<16xi32>,
    %get3A_858 = vector.shape_cast %get3A_857 : vector<16xi32> to vector<16xi32>
    %mul3A_859 = arith.constant 512 : i32
    %mul3A_860 = vector.broadcast %mul3A_859 : i32 to vector<16xi32>
    %mul3A_861 = arith.muli %get3A_855, %mul3A_860 : vector<16xi32>
    %add3A_862 = arith.addi %mul3A_861, %get3A_858 : vector<16xi32>
    %swap3A_863 = arith.constant 6 : i32
    %swap3A_864 = arith.index_cast %swap3A_863 : i32 to index
    %swap3A_865 = arith.constant 32 : index
    %swap3A_866 = tpu.vector_load %arg11[%swap3A_864, %swap3A_865] {strides = array<i32>} : memref<8x128xi32, #tpu.memory_space<vmem>>, vector<1x16xi32>,
    %swap3A_867 = vector.shape_cast %swap3A_866 : vector<1x16xi32> to vector<16xi32>
    %swap3A_868 = vector.shape_cast %add3A_862 : vector<16xi32> to vector<1x16xi32>
    tpu.vector_store %arg11[%swap3A_864, %swap3A_865], %swap3A_868 {strides = array<i32>} : memref<8x128xi32, #tpu.memory_space<vmem>>, vector<1x16xi32>,
    %get3A_869 = arith.constant 816 : index
    %get3A_870 = tpu.vector_load %arg9[%get3A_869] {strides = array<i32>} : memref<1024xi32, #tpu.memory_space<vmem>>, vector<16xi32>,
    %get3A_871 = vector.shape_cast %get3A_870 : vector<16xi32> to vector<16xi32>
    %get3A_872 = arith.constant 816 : index
    %get3A_873 = tpu.vector_load %arg10[%get3A_872] {strides = array<i32>} : memref<1024xi32, #tpu.memory_space<vmem>>, vector<16xi32>,
    %get3A_874 = vector.shape_cast %get3A_873 : vector<16xi32> to vector<16xi32>
    %mul3A_875 = arith.constant 512 : i32
    %mul3A_876 = vector.broadcast %mul3A_875 : i32 to vector<16xi32>
    %mul3A_877 = arith.muli %get3A_871, %mul3A_876 : vector<16xi32>
    %add3A_878 = arith.addi %mul3A_877, %get3A_874 : vector<16xi32>
    %swap3A_879 = arith.constant 6 : i32
    %swap3A_880 = arith.index_cast %swap3A_879 : i32 to index
    %swap3A_881 = arith.constant 48 : index
    %swap3A_882 = tpu.vector_load %arg11[%swap3A_880, %swap3A_881] {strides = array<i32>} : memref<8x128xi32, #tpu.memory_space<vmem>>, vector<1x16xi32>,
    %swap3A_883 = vector.shape_cast %swap3A_882 : vector<1x16xi32> to vector<16xi32>
    %swap3A_884 = vector.shape_cast %add3A_878 : vector<16xi32> to vector<1x16xi32>
    tpu.vector_store %arg11[%swap3A_880, %swap3A_881], %swap3A_884 {strides = array<i32>} : memref<8x128xi32, #tpu.memory_space<vmem>>, vector<1x16xi32>,
    %get3A_885 = arith.constant 832 : index
    %get3A_886 = tpu.vector_load %arg9[%get3A_885] {strides = array<i32>} : memref<1024xi32, #tpu.memory_space<vmem>>, vector<16xi32>,
    %get3A_887 = vector.shape_cast %get3A_886 : vector<16xi32> to vector<16xi32>
    %get3A_888 = arith.constant 832 : index
    %get3A_889 = tpu.vector_load %arg10[%get3A_888] {strides = array<i32>} : memref<1024xi32, #tpu.memory_space<vmem>>, vector<16xi32>,
    %get3A_890 = vector.shape_cast %get3A_889 : vector<16xi32> to vector<16xi32>
    %mul3A_891 = arith.constant 512 : i32
    %mul3A_892 = vector.broadcast %mul3A_891 : i32 to vector<16xi32>
    %mul3A_893 = arith.muli %get3A_887, %mul3A_892 : vector<16xi32>
    %add3A_894 = arith.addi %mul3A_893, %get3A_890 : vector<16xi32>
    %swap3A_895 = arith.constant 6 : i32
    %swap3A_896 = arith.index_cast %swap3A_895 : i32 to index
    %swap3A_897 = arith.constant 64 : index
    %swap3A_898 = tpu.vector_load %arg11[%swap3A_896, %swap3A_897] {strides = array<i32>} : memref<8x128xi32, #tpu.memory_space<vmem>>, vector<1x16xi32>,
    %swap3A_899 = vector.shape_cast %swap3A_898 : vector<1x16xi32> to vector<16xi32>
    %swap3A_900 = vector.shape_cast %add3A_894 : vector<16xi32> to vector<1x16xi32>
    tpu.vector_store %arg11[%swap3A_896, %swap3A_897], %swap3A_900 {strides = array<i32>} : memref<8x128xi32, #tpu.memory_space<vmem>>, vector<1x16xi32>,
    %get3A_901 = arith.constant 848 : index
    %get3A_902 = tpu.vector_load %arg9[%get3A_901] {strides = array<i32>} : memref<1024xi32, #tpu.memory_space<vmem>>, vector<16xi32>,
    %get3A_903 = vector.shape_cast %get3A_902 : vector<16xi32> to vector<16xi32>
    %get3A_904 = arith.constant 848 : index
    %get3A_905 = tpu.vector_load %arg10[%get3A_904] {strides = array<i32>} : memref<1024xi32, #tpu.memory_space<vmem>>, vector<16xi32>,
    %get3A_906 = vector.shape_cast %get3A_905 : vector<16xi32> to vector<16xi32>
    %mul3A_907 = arith.constant 512 : i32
    %mul3A_908 = vector.broadcast %mul3A_907 : i32 to vector<16xi32>
    %mul3A_909 = arith.muli %get3A_903, %mul3A_908 : vector<16xi32>
    %add3A_910 = arith.addi %mul3A_909, %get3A_906 : vector<16xi32>
    %swap3A_911 = arith.constant 6 : i32
    %swap3A_912 = arith.index_cast %swap3A_911 : i32 to index
    %swap3A_913 = arith.constant 80 : index
    %swap3A_914 = tpu.vector_load %arg11[%swap3A_912, %swap3A_913] {strides = array<i32>} : memref<8x128xi32, #tpu.memory_space<vmem>>, vector<1x16xi32>,
    %swap3A_915 = vector.shape_cast %swap3A_914 : vector<1x16xi32> to vector<16xi32>
    %swap3A_916 = vector.shape_cast %add3A_910 : vector<16xi32> to vector<1x16xi32>
    tpu.vector_store %arg11[%swap3A_912, %swap3A_913], %swap3A_916 {strides = array<i32>} : memref<8x128xi32, #tpu.memory_space<vmem>>, vector<1x16xi32>,
    %get3A_917 = arith.constant 864 : index
    %get3A_918 = tpu.vector_load %arg9[%get3A_917] {strides = array<i32>} : memref<1024xi32, #tpu.memory_space<vmem>>, vector<16xi32>,
    %get3A_919 = vector.shape_cast %get3A_918 : vector<16xi32> to vector<16xi32>
    %get3A_920 = arith.constant 864 : index
    %get3A_921 = tpu.vector_load %arg10[%get3A_920] {strides = array<i32>} : memref<1024xi32, #tpu.memory_space<vmem>>, vector<16xi32>,
    %get3A_922 = vector.shape_cast %get3A_921 : vector<16xi32> to vector<16xi32>
    %mul3A_923 = arith.constant 512 : i32
    %mul3A_924 = vector.broadcast %mul3A_923 : i32 to vector<16xi32>
    %mul3A_925 = arith.muli %get3A_919, %mul3A_924 : vector<16xi32>
    %add3A_926 = arith.addi %mul3A_925, %get3A_922 : vector<16xi32>
    %swap3A_927 = arith.constant 6 : i32
    %swap3A_928 = arith.index_cast %swap3A_927 : i32 to index
    %swap3A_929 = arith.constant 96 : index
    %swap3A_930 = tpu.vector_load %arg11[%swap3A_928, %swap3A_929] {strides = array<i32>} : memref<8x128xi32, #tpu.memory_space<vmem>>, vector<1x16xi32>,
    %swap3A_931 = vector.shape_cast %swap3A_930 : vector<1x16xi32> to vector<16xi32>
    %swap3A_932 = vector.shape_cast %add3A_926 : vector<16xi32> to vector<1x16xi32>
    tpu.vector_store %arg11[%swap3A_928, %swap3A_929], %swap3A_932 {strides = array<i32>} : memref<8x128xi32, #tpu.memory_space<vmem>>, vector<1x16xi32>,
    %get3A_933 = arith.constant 880 : index
    %get3A_934 = tpu.vector_load %arg9[%get3A_933] {strides = array<i32>} : memref<1024xi32, #tpu.memory_space<vmem>>, vector<16xi32>,
    %get3A_935 = vector.shape_cast %get3A_934 : vector<16xi32> to vector<16xi32>
    %get3A_936 = arith.constant 880 : index
    %get3A_937 = tpu.vector_load %arg10[%get3A_936] {strides = array<i32>} : memref<1024xi32, #tpu.memory_space<vmem>>, vector<16xi32>,
    %get3A_938 = vector.shape_cast %get3A_937 : vector<16xi32> to vector<16xi32>
    %mul3A_939 = arith.constant 512 : i32
    %mul3A_940 = vector.broadcast %mul3A_939 : i32 to vector<16xi32>
    %mul3A_941 = arith.muli %get3A_935, %mul3A_940 : vector<16xi32>
    %add3A_942 = arith.addi %mul3A_941, %get3A_938 : vector<16xi32>
    %swap3A_943 = arith.constant 6 : i32
    %swap3A_944 = arith.index_cast %swap3A_943 : i32 to index
    %swap3A_945 = arith.constant 112 : index
    %swap3A_946 = tpu.vector_load %arg11[%swap3A_944, %swap3A_945] {strides = array<i32>} : memref<8x128xi32, #tpu.memory_space<vmem>>, vector<1x16xi32>,
    %swap3A_947 = vector.shape_cast %swap3A_946 : vector<1x16xi32> to vector<16xi32>
    %swap3A_948 = vector.shape_cast %add3A_942 : vector<16xi32> to vector<1x16xi32>
    tpu.vector_store %arg11[%swap3A_944, %swap3A_945], %swap3A_948 {strides = array<i32>} : memref<8x128xi32, #tpu.memory_space<vmem>>, vector<1x16xi32>,
    %get3A_949 = arith.constant 896 : index
    %get3A_950 = tpu.vector_load %arg9[%get3A_949] {strides = array<i32>} : memref<1024xi32, #tpu.memory_space<vmem>>, vector<16xi32>,
    %get3A_951 = vector.shape_cast %get3A_950 : vector<16xi32> to vector<16xi32>
    %get3A_952 = arith.constant 896 : index
    %get3A_953 = tpu.vector_load %arg10[%get3A_952] {strides = array<i32>} : memref<1024xi32, #tpu.memory_space<vmem>>, vector<16xi32>,
    %get3A_954 = vector.shape_cast %get3A_953 : vector<16xi32> to vector<16xi32>
    %mul3A_955 = arith.constant 512 : i32
    %mul3A_956 = vector.broadcast %mul3A_955 : i32 to vector<16xi32>
    %mul3A_957 = arith.muli %get3A_951, %mul3A_956 : vector<16xi32>
    %add3A_958 = arith.addi %mul3A_957, %get3A_954 : vector<16xi32>
    %swap3A_959 = arith.constant 7 : i32
    %swap3A_960 = arith.index_cast %swap3A_959 : i32 to index
    %swap3A_961 = arith.constant 0 : index
    %swap3A_962 = tpu.vector_load %arg11[%swap3A_960, %swap3A_961] {strides = array<i32>} : memref<8x128xi32, #tpu.memory_space<vmem>>, vector<1x16xi32>,
    %swap3A_963 = vector.shape_cast %swap3A_962 : vector<1x16xi32> to vector<16xi32>
    %swap3A_964 = vector.shape_cast %add3A_958 : vector<16xi32> to vector<1x16xi32>
    tpu.vector_store %arg11[%swap3A_960, %swap3A_961], %swap3A_964 {strides = array<i32>} : memref<8x128xi32, #tpu.memory_space<vmem>>, vector<1x16xi32>,
    %get3A_965 = arith.constant 912 : index
    %get3A_966 = tpu.vector_load %arg9[%get3A_965] {strides = array<i32>} : memref<1024xi32, #tpu.memory_space<vmem>>, vector<16xi32>,
    %get3A_967 = vector.shape_cast %get3A_966 : vector<16xi32> to vector<16xi32>
    %get3A_968 = arith.constant 912 : index
    %get3A_969 = tpu.vector_load %arg10[%get3A_968] {strides = array<i32>} : memref<1024xi32, #tpu.memory_space<vmem>>, vector<16xi32>,
    %get3A_970 = vector.shape_cast %get3A_969 : vector<16xi32> to vector<16xi32>
    %mul3A_971 = arith.constant 512 : i32
    %mul3A_972 = vector.broadcast %mul3A_971 : i32 to vector<16xi32>
    %mul3A_973 = arith.muli %get3A_967, %mul3A_972 : vector<16xi32>
    %add3A_974 = arith.addi %mul3A_973, %get3A_970 : vector<16xi32>
    %swap3A_975 = arith.constant 7 : i32
    %swap3A_976 = arith.index_cast %swap3A_975 : i32 to index
    %swap3A_977 = arith.constant 16 : index
    %swap3A_978 = tpu.vector_load %arg11[%swap3A_976, %swap3A_977] {strides = array<i32>} : memref<8x128xi32, #tpu.memory_space<vmem>>, vector<1x16xi32>,
    %swap3A_979 = vector.shape_cast %swap3A_978 : vector<1x16xi32> to vector<16xi32>
    %swap3A_980 = vector.shape_cast %add3A_974 : vector<16xi32> to vector<1x16xi32>
    tpu.vector_store %arg11[%swap3A_976, %swap3A_977], %swap3A_980 {strides = array<i32>} : memref<8x128xi32, #tpu.memory_space<vmem>>, vector<1x16xi32>,
    %get3A_981 = arith.constant 928 : index
    %get3A_982 = tpu.vector_load %arg9[%get3A_981] {strides = array<i32>} : memref<1024xi32, #tpu.memory_space<vmem>>, vector<16xi32>,
    %get3A_983 = vector.shape_cast %get3A_982 : vector<16xi32> to vector<16xi32>
    %get3A_984 = arith.constant 928 : index
    %get3A_985 = tpu.vector_load %arg10[%get3A_984] {strides = array<i32>} : memref<1024xi32, #tpu.memory_space<vmem>>, vector<16xi32>,
    %get3A_986 = vector.shape_cast %get3A_985 : vector<16xi32> to vector<16xi32>
    %mul3A_987 = arith.constant 512 : i32
    %mul3A_988 = vector.broadcast %mul3A_987 : i32 to vector<16xi32>
    %mul3A_989 = arith.muli %get3A_983, %mul3A_988 : vector<16xi32>
    %add3A_990 = arith.addi %mul3A_989, %get3A_986 : vector<16xi32>
    %swap3A_991 = arith.constant 7 : i32
    %swap3A_992 = arith.index_cast %swap3A_991 : i32 to index
    %swap3A_993 = arith.constant 32 : index
    %swap3A_994 = tpu.vector_load %arg11[%swap3A_992, %swap3A_993] {strides = array<i32>} : memref<8x128xi32, #tpu.memory_space<vmem>>, vector<1x16xi32>,
    %swap3A_995 = vector.shape_cast %swap3A_994 : vector<1x16xi32> to vector<16xi32>
    %swap3A_996 = vector.shape_cast %add3A_990 : vector<16xi32> to vector<1x16xi32>
    tpu.vector_store %arg11[%swap3A_992, %swap3A_993], %swap3A_996 {strides = array<i32>} : memref<8x128xi32, #tpu.memory_space<vmem>>, vector<1x16xi32>,
    %get3A_997 = arith.constant 944 : index
    %get3A_998 = tpu.vector_load %arg9[%get3A_997] {strides = array<i32>} : memref<1024xi32, #tpu.memory_space<vmem>>, vector<16xi32>,
    %get3A_999 = vector.shape_cast %get3A_998 : vector<16xi32> to vector<16xi32>
    %get3A_1000 = arith.constant 944 : index
    %get3A_1001 = tpu.vector_load %arg10[%get3A_1000] {strides = array<i32>} : memref<1024xi32, #tpu.memory_space<vmem>>, vector<16xi32>,
    %get3A_1002 = vector.shape_cast %get3A_1001 : vector<16xi32> to vector<16xi32>
    %mul3A_1003 = arith.constant 512 : i32
    %mul3A_1004 = vector.broadcast %mul3A_1003 : i32 to vector<16xi32>
    %mul3A_1005 = arith.muli %get3A_999, %mul3A_1004 : vector<16xi32>
    %add3A_1006 = arith.addi %mul3A_1005, %get3A_1002 : vector<16xi32>
    %swap3A_1007 = arith.constant 7 : i32
    %swap3A_1008 = arith.index_cast %swap3A_1007 : i32 to index
    %swap3A_1009 = arith.constant 48 : index
    %swap3A_1010 = tpu.vector_load %arg11[%swap3A_1008, %swap3A_1009] {strides = array<i32>} : memref<8x128xi32, #tpu.memory_space<vmem>>, vector<1x16xi32>,
    %swap3A_1011 = vector.shape_cast %swap3A_1010 : vector<1x16xi32> to vector<16xi32>
    %swap3A_1012 = vector.shape_cast %add3A_1006 : vector<16xi32> to vector<1x16xi32>
    tpu.vector_store %arg11[%swap3A_1008, %swap3A_1009], %swap3A_1012 {strides = array<i32>} : memref<8x128xi32, #tpu.memory_space<vmem>>, vector<1x16xi32>,
    %get3A_1013 = arith.constant 960 : index
    %get3A_1014 = tpu.vector_load %arg9[%get3A_1013] {strides = array<i32>} : memref<1024xi32, #tpu.memory_space<vmem>>, vector<16xi32>,
    %get3A_1015 = vector.shape_cast %get3A_1014 : vector<16xi32> to vector<16xi32>
    %get3A_1016 = arith.constant 960 : index
    %get3A_1017 = tpu.vector_load %arg10[%get3A_1016] {strides = array<i32>} : memref<1024xi32, #tpu.memory_space<vmem>>, vector<16xi32>,
    %get3A_1018 = vector.shape_cast %get3A_1017 : vector<16xi32> to vector<16xi32>
    %mul3A_1019 = arith.constant 512 : i32
    %mul3A_1020 = vector.broadcast %mul3A_1019 : i32 to vector<16xi32>
    %mul3A_1021 = arith.muli %get3A_1015, %mul3A_1020 : vector<16xi32>
    %add3A_1022 = arith.addi %mul3A_1021, %get3A_1018 : vector<16xi32>
    %swap3A_1023 = arith.constant 7 : i32
    %swap3A_1024 = arith.index_cast %swap3A_1023 : i32 to index
    %swap3A_1025 = arith.constant 64 : index
    %swap3A_1026 = tpu.vector_load %arg11[%swap3A_1024, %swap3A_1025] {strides = array<i32>} : memref<8x128xi32, #tpu.memory_space<vmem>>, vector<1x16xi32>,
    %swap3A_1027 = vector.shape_cast %swap3A_1026 : vector<1x16xi32> to vector<16xi32>
    %swap3A_1028 = vector.shape_cast %add3A_1022 : vector<16xi32> to vector<1x16xi32>
    tpu.vector_store %arg11[%swap3A_1024, %swap3A_1025], %swap3A_1028 {strides = array<i32>} : memref<8x128xi32, #tpu.memory_space<vmem>>, vector<1x16xi32>,
    %get3A_1029 = arith.constant 976 : index
    %get3A_1030 = tpu.vector_load %arg9[%get3A_1029] {strides = array<i32>} : memref<1024xi32, #tpu.memory_space<vmem>>, vector<16xi32>,
    %get3A_1031 = vector.shape_cast %get3A_1030 : vector<16xi32> to vector<16xi32>
    %get3A_1032 = arith.constant 976 : index
    %get3A_1033 = tpu.vector_load %arg10[%get3A_1032] {strides = array<i32>} : memref<1024xi32, #tpu.memory_space<vmem>>, vector<16xi32>,
    %get3A_1034 = vector.shape_cast %get3A_1033 : vector<16xi32> to vector<16xi32>
    %mul3A_1035 = arith.constant 512 : i32
    %mul3A_1036 = vector.broadcast %mul3A_1035 : i32 to vector<16xi32>
    %mul3A_1037 = arith.muli %get3A_1031, %mul3A_1036 : vector<16xi32>
    %add3A_1038 = arith.addi %mul3A_1037, %get3A_1034 : vector<16xi32>
    %swap3A_1039 = arith.constant 7 : i32
    %swap3A_1040 = arith.index_cast %swap3A_1039 : i32 to index
    %swap3A_1041 = arith.constant 80 : index
    %swap3A_1042 = tpu.vector_load %arg11[%swap3A_1040, %swap3A_1041] {strides = array<i32>} : memref<8x128xi32, #tpu.memory_space<vmem>>, vector<1x16xi32>,
    %swap3A_1043 = vector.shape_cast %swap3A_1042 : vector<1x16xi32> to vector<16xi32>
    %swap3A_1044 = vector.shape_cast %add3A_1038 : vector<16xi32> to vector<1x16xi32>
    tpu.vector_store %arg11[%swap3A_1040, %swap3A_1041], %swap3A_1044 {strides = array<i32>} : memref<8x128xi32, #tpu.memory_space<vmem>>, vector<1x16xi32>,
    %get3A_1045 = arith.constant 992 : index
    %get3A_1046 = tpu.vector_load %arg9[%get3A_1045] {strides = array<i32>} : memref<1024xi32, #tpu.memory_space<vmem>>, vector<16xi32>,
    %get3A_1047 = vector.shape_cast %get3A_1046 : vector<16xi32> to vector<16xi32>
    %get3A_1048 = arith.constant 992 : index
    %get3A_1049 = tpu.vector_load %arg10[%get3A_1048] {strides = array<i32>} : memref<1024xi32, #tpu.memory_space<vmem>>, vector<16xi32>,
    %get3A_1050 = vector.shape_cast %get3A_1049 : vector<16xi32> to vector<16xi32>
    %mul3A_1051 = arith.constant 512 : i32
    %mul3A_1052 = vector.broadcast %mul3A_1051 : i32 to vector<16xi32>
    %mul3A_1053 = arith.muli %get3A_1047, %mul3A_1052 : vector<16xi32>
    %add3A_1054 = arith.addi %mul3A_1053, %get3A_1050 : vector<16xi32>
    %swap3A_1055 = arith.constant 7 : i32
    %swap3A_1056 = arith.index_cast %swap3A_1055 : i32 to index
    %swap3A_1057 = arith.constant 96 : index
    %swap3A_1058 = tpu.vector_load %arg11[%swap3A_1056, %swap3A_1057] {strides = array<i32>} : memref<8x128xi32, #tpu.memory_space<vmem>>, vector<1x16xi32>,
    %swap3A_1059 = vector.shape_cast %swap3A_1058 : vector<1x16xi32> to vector<16xi32>
    %swap3A_1060 = vector.shape_cast %add3A_1054 : vector<16xi32> to vector<1x16xi32>
    tpu.vector_store %arg11[%swap3A_1056, %swap3A_1057], %swap3A_1060 {strides = array<i32>} : memref<8x128xi32, #tpu.memory_space<vmem>>, vector<1x16xi32>,
    %get3A_1061 = arith.constant 1008 : index
    %get3A_1062 = tpu.vector_load %arg9[%get3A_1061] {strides = array<i32>} : memref<1024xi32, #tpu.memory_space<vmem>>, vector<16xi32>,
    %get3A_1063 = vector.shape_cast %get3A_1062 : vector<16xi32> to vector<16xi32>
    %get3A_1064 = arith.constant 1008 : index
    %get3A_1065 = tpu.vector_load %arg10[%get3A_1064] {strides = array<i32>} : memref<1024xi32, #tpu.memory_space<vmem>>, vector<16xi32>,
    %get3A_1066 = vector.shape_cast %get3A_1065 : vector<16xi32> to vector<16xi32>
    %mul3A_1067 = arith.constant 512 : i32
    %mul3A_1068 = vector.broadcast %mul3A_1067 : i32 to vector<16xi32>
    %mul3A_1069 = arith.muli %get3A_1063, %mul3A_1068 : vector<16xi32>
    %add3A_1070 = arith.addi %mul3A_1069, %get3A_1066 : vector<16xi32>
    %swap3A_1071 = arith.constant 7 : i32
    %swap3A_1072 = arith.index_cast %swap3A_1071 : i32 to index
    %swap3A_1073 = arith.constant 112 : index
    %swap3A_1074 = tpu.vector_load %arg11[%swap3A_1072, %swap3A_1073] {strides = array<i32>} : memref<8x128xi32, #tpu.memory_space<vmem>>, vector<1x16xi32>,
    %swap3A_1075 = vector.shape_cast %swap3A_1074 : vector<1x16xi32> to vector<16xi32>
    %swap3A_1076 = vector.shape_cast %add3A_1070 : vector<16xi32> to vector<1x16xi32>
    tpu.vector_store %arg11[%swap3A_1072, %swap3A_1073], %swap3A_1076 {strides = array<i32>} : memref<8x128xi32, #tpu.memory_space<vmem>>, vector<1x16xi32>,
    %mul3A_1077 = arith.constant 16512 : i32
    %mul3A_1078 = arith.muli %arg1, %mul3A_1077 : i32
    "tpu.region"() ({
      %run_scoped3A = tpu.sem_alloc : memref<!tpu.dma_semaphore, #tpu.memory_space<semaphore_mem>>
      %dma_start3A_1347 = tpu.memref_slice %arg14[%mul3A_1078] : memref<264192xf32, #tpu.memory_space<vmem_shared>> -> memref<16512xf32, #tpu.memory_space<vmem_shared>>
      %dma_start3A_1348 = tpu.memref_slice %arg14[%mul3A_1078] : memref<264192xf32, #tpu.memory_space<vmem_shared>> -> memref<16512xf32, #tpu.memory_space<vmem_shared>>
      tpu.enqueue_dma source(%arg13 : memref<16512xf32, #tpu.memory_space<vmem>>) target(%dma_start3A_1348 : memref<16512xf32, #tpu.memory_space<vmem_shared>>) target_semaphore(%run_scoped3A : memref<!tpu.dma_semaphore, #tpu.memory_space<semaphore_mem>>)
      %dma_wait3A_1349 = tpu.memref_slice %arg14[%mul3A_1078] : memref<264192xf32, #tpu.memory_space<vmem_shared>> -> memref<16512xf32, #tpu.memory_space<vmem_shared>>
      %dma_wait3A_1350 = tpu.memref_slice %arg14[%mul3A_1078] : memref<264192xf32, #tpu.memory_space<vmem_shared>> -> memref<16512xf32, #tpu.memory_space<vmem_shared>>
      tpu.wait_dma2 semaphore(%run_scoped3A : memref<!tpu.dma_semaphore, #tpu.memory_space<semaphore_mem>>) src(%arg13 : memref<16512xf32, #tpu.memory_space<vmem>>) dst(%dma_wait3A_1350 : memref<16512xf32, #tpu.memory_space<vmem_shared>>)
      tpu.yield
    }) : () -> ()
    %barrier3A = arith.constant 0 : index
    tpu.barrier barrier_id(%barrier3A)
    %dma_start3A = arith.constant 0 : i32
    %dma_start3A_1079 = arith.constant 0 : i32
    %dma_start3A_1080 = tpu.memref_slice %arg11[%dma_start3A, %dma_start3A_1079] : memref<8x128xi32, #tpu.memory_space<vmem>> -> memref<1x128xi32, #tpu.memory_space<vmem>>
    %dma_start3A_1081 = tpu.memref_squeeze %dma_start3A_1080 : memref<1x128xi32, #tpu.memory_space<vmem>> -> memref<128xi32, #tpu.memory_space<vmem>>
    %dma_start3A_1082 = arith.constant 0 : i32
    %dma_start3A_1083 = tpu.memref_slice %arg14[%dma_start3A_1082] : memref<264192xf32, #tpu.memory_space<vmem_shared>> -> memref<264192xf32, #tpu.memory_space<vmem_shared>>
    tpu.enqueue_indirect_dma source(%arg12 : memref<128xf32, #tpu.memory_space<vmem>>) target(%dma_start3A_1083 : memref<264192xf32, #tpu.memory_space<vmem_shared>>) offsets(%dma_start3A_1081 : memref<128xi32, #tpu.memory_space<vmem>>) semaphore(%arg16 : memref<!tpu.dma_semaphore, #tpu.memory_space<semaphore_mem>>)
    %dma_start3A_1084 = arith.constant 1 : i32
    %dma_start3A_1085 = arith.constant 0 : i32
    %dma_start3A_1086 = tpu.memref_slice %arg11[%dma_start3A_1084, %dma_start3A_1085] : memref<8x128xi32, #tpu.memory_space<vmem>> -> memref<1x128xi32, #tpu.memory_space<vmem>>
    %dma_start3A_1087 = tpu.memref_squeeze %dma_start3A_1086 : memref<1x128xi32, #tpu.memory_space<vmem>> -> memref<128xi32, #tpu.memory_space<vmem>>
    %dma_start3A_1088 = arith.constant 0 : i32
    %dma_start3A_1089 = tpu.memref_slice %arg14[%dma_start3A_1088] : memref<264192xf32, #tpu.memory_space<vmem_shared>> -> memref<264192xf32, #tpu.memory_space<vmem_shared>>
    tpu.enqueue_indirect_dma source(%arg12 : memref<128xf32, #tpu.memory_space<vmem>>) target(%dma_start3A_1089 : memref<264192xf32, #tpu.memory_space<vmem_shared>>) offsets(%dma_start3A_1087 : memref<128xi32, #tpu.memory_space<vmem>>) semaphore(%arg16 : memref<!tpu.dma_semaphore, #tpu.memory_space<semaphore_mem>>)
    %dma_start3A_1090 = arith.constant 2 : i32
    %dma_start3A_1091 = arith.constant 0 : i32
    %dma_start3A_1092 = tpu.memref_slice %arg11[%dma_start3A_1090, %dma_start3A_1091] : memref<8x128xi32, #tpu.memory_space<vmem>> -> memref<1x128xi32, #tpu.memory_space<vmem>>
    %dma_start3A_1093 = tpu.memref_squeeze %dma_start3A_1092 : memref<1x128xi32, #tpu.memory_space<vmem>> -> memref<128xi32, #tpu.memory_space<vmem>>
    %dma_start3A_1094 = arith.constant 0 : i32
    %dma_start3A_1095 = tpu.memref_slice %arg14[%dma_start3A_1094] : memref<264192xf32, #tpu.memory_space<vmem_shared>> -> memref<264192xf32, #tpu.memory_space<vmem_shared>>
    tpu.enqueue_indirect_dma source(%arg12 : memref<128xf32, #tpu.memory_space<vmem>>) target(%dma_start3A_1095 : memref<264192xf32, #tpu.memory_space<vmem_shared>>) offsets(%dma_start3A_1093 : memref<128xi32, #tpu.memory_space<vmem>>) semaphore(%arg16 : memref<!tpu.dma_semaphore, #tpu.memory_space<semaphore_mem>>)
    %dma_start3A_1096 = arith.constant 3 : i32
    %dma_start3A_1097 = arith.constant 0 : i32
    %dma_start3A_1098 = tpu.memref_slice %arg11[%dma_start3A_1096, %dma_start3A_1097] : memref<8x128xi32, #tpu.memory_space<vmem>> -> memref<1x128xi32, #tpu.memory_space<vmem>>
    %dma_start3A_1099 = tpu.memref_squeeze %dma_start3A_1098 : memref<1x128xi32, #tpu.memory_space<vmem>> -> memref<128xi32, #tpu.memory_space<vmem>>
    %dma_start3A_1100 = arith.constant 0 : i32
    %dma_start3A_1101 = tpu.memref_slice %arg14[%dma_start3A_1100] : memref<264192xf32, #tpu.memory_space<vmem_shared>> -> memref<264192xf32, #tpu.memory_space<vmem_shared>>
    tpu.enqueue_indirect_dma source(%arg12 : memref<128xf32, #tpu.memory_space<vmem>>) target(%dma_start3A_1101 : memref<264192xf32, #tpu.memory_space<vmem_shared>>) offsets(%dma_start3A_1099 : memref<128xi32, #tpu.memory_space<vmem>>) semaphore(%arg16 : memref<!tpu.dma_semaphore, #tpu.memory_space<semaphore_mem>>)
    %dma_start3A_1102 = arith.constant 4 : i32
    %dma_start3A_1103 = arith.constant 0 : i32
    %dma_start3A_1104 = tpu.memref_slice %arg11[%dma_start3A_1102, %dma_start3A_1103] : memref<8x128xi32, #tpu.memory_space<vmem>> -> memref<1x128xi32, #tpu.memory_space<vmem>>
    %dma_start3A_1105 = tpu.memref_squeeze %dma_start3A_1104 : memref<1x128xi32, #tpu.memory_space<vmem>> -> memref<128xi32, #tpu.memory_space<vmem>>
    %dma_start3A_1106 = arith.constant 0 : i32
    %dma_start3A_1107 = tpu.memref_slice %arg14[%dma_start3A_1106] : memref<264192xf32, #tpu.memory_space<vmem_shared>> -> memref<264192xf32, #tpu.memory_space<vmem_shared>>
    tpu.enqueue_indirect_dma source(%arg12 : memref<128xf32, #tpu.memory_space<vmem>>) target(%dma_start3A_1107 : memref<264192xf32, #tpu.memory_space<vmem_shared>>) offsets(%dma_start3A_1105 : memref<128xi32, #tpu.memory_space<vmem>>) semaphore(%arg16 : memref<!tpu.dma_semaphore, #tpu.memory_space<semaphore_mem>>)
    %dma_start3A_1108 = arith.constant 5 : i32
    %dma_start3A_1109 = arith.constant 0 : i32
    %dma_start3A_1110 = tpu.memref_slice %arg11[%dma_start3A_1108, %dma_start3A_1109] : memref<8x128xi32, #tpu.memory_space<vmem>> -> memref<1x128xi32, #tpu.memory_space<vmem>>
    %dma_start3A_1111 = tpu.memref_squeeze %dma_start3A_1110 : memref<1x128xi32, #tpu.memory_space<vmem>> -> memref<128xi32, #tpu.memory_space<vmem>>
    %dma_start3A_1112 = arith.constant 0 : i32
    %dma_start3A_1113 = tpu.memref_slice %arg14[%dma_start3A_1112] : memref<264192xf32, #tpu.memory_space<vmem_shared>> -> memref<264192xf32, #tpu.memory_space<vmem_shared>>
    tpu.enqueue_indirect_dma source(%arg12 : memref<128xf32, #tpu.memory_space<vmem>>) target(%dma_start3A_1113 : memref<264192xf32, #tpu.memory_space<vmem_shared>>) offsets(%dma_start3A_1111 : memref<128xi32, #tpu.memory_space<vmem>>) semaphore(%arg16 : memref<!tpu.dma_semaphore, #tpu.memory_space<semaphore_mem>>)
    %dma_start3A_1114 = arith.constant 6 : i32
    %dma_start3A_1115 = arith.constant 0 : i32
    %dma_start3A_1116 = tpu.memref_slice %arg11[%dma_start3A_1114, %dma_start3A_1115] : memref<8x128xi32, #tpu.memory_space<vmem>> -> memref<1x128xi32, #tpu.memory_space<vmem>>
    %dma_start3A_1117 = tpu.memref_squeeze %dma_start3A_1116 : memref<1x128xi32, #tpu.memory_space<vmem>> -> memref<128xi32, #tpu.memory_space<vmem>>
    %dma_start3A_1118 = arith.constant 0 : i32
    %dma_start3A_1119 = tpu.memref_slice %arg14[%dma_start3A_1118] : memref<264192xf32, #tpu.memory_space<vmem_shared>> -> memref<264192xf32, #tpu.memory_space<vmem_shared>>
    tpu.enqueue_indirect_dma source(%arg12 : memref<128xf32, #tpu.memory_space<vmem>>) target(%dma_start3A_1119 : memref<264192xf32, #tpu.memory_space<vmem_shared>>) offsets(%dma_start3A_1117 : memref<128xi32, #tpu.memory_space<vmem>>) semaphore(%arg16 : memref<!tpu.dma_semaphore, #tpu.memory_space<semaphore_mem>>)
    %dma_start3A_1120 = arith.constant 7 : i32
    %dma_start3A_1121 = arith.constant 0 : i32
    %dma_start3A_1122 = tpu.memref_slice %arg11[%dma_start3A_1120, %dma_start3A_1121] : memref<8x128xi32, #tpu.memory_space<vmem>> -> memref<1x128xi32, #tpu.memory_space<vmem>>
    %dma_start3A_1123 = tpu.memref_squeeze %dma_start3A_1122 : memref<1x128xi32, #tpu.memory_space<vmem>> -> memref<128xi32, #tpu.memory_space<vmem>>
    %dma_start3A_1124 = arith.constant 0 : i32
    %dma_start3A_1125 = tpu.memref_slice %arg14[%dma_start3A_1124] : memref<264192xf32, #tpu.memory_space<vmem_shared>> -> memref<264192xf32, #tpu.memory_space<vmem_shared>>
    tpu.enqueue_indirect_dma source(%arg12 : memref<128xf32, #tpu.memory_space<vmem>>) target(%dma_start3A_1125 : memref<264192xf32, #tpu.memory_space<vmem_shared>>) offsets(%dma_start3A_1123 : memref<128xi32, #tpu.memory_space<vmem>>) semaphore(%arg16 : memref<!tpu.dma_semaphore, #tpu.memory_space<semaphore_mem>>)
    %add3A_1126 = arith.constant 0 : i32
    %add3A_1127 = arith.addi %mul3A_2, %add3A_1126 : i32
    "tpu.region"() ({
      %run_scoped3A = tpu.sem_alloc : memref<!tpu.dma_semaphore, #tpu.memory_space<semaphore_mem>>
      %dma_start3A_1347 = arith.constant 0 : i32
      %dma_start3A_1348 = tpu.memref_slice %arg2[%add3A_1127, %dma_start3A_1347] : memref<32768x128xf32, #tpu.memory_space<hbm>> -> memref<512x128xf32, #tpu.memory_space<hbm>>
      %dma_start3A_1349 = arith.constant 0 : i32
      %dma_start3A_1350 = tpu.memref_slice %arg2[%add3A_1127, %dma_start3A_1349] : memref<32768x128xf32, #tpu.memory_space<hbm>> -> memref<512x128xf32, #tpu.memory_space<hbm>>
      tpu.enqueue_dma source(%dma_start3A_1350 : memref<512x128xf32, #tpu.memory_space<hbm>>) target(%arg8 : memref<512x128xf32, #tpu.memory_space<vmem>>) target_semaphore(%run_scoped3A : memref<!tpu.dma_semaphore, #tpu.memory_space<semaphore_mem>>)
      %dma_wait3A_1351 = arith.constant 0 : i32
      %dma_wait3A_1352 = tpu.memref_slice %arg2[%add3A_1127, %dma_wait3A_1351] : memref<32768x128xf32, #tpu.memory_space<hbm>> -> memref<512x128xf32, #tpu.memory_space<hbm>>
      %dma_wait3A_1353 = arith.constant 0 : i32
      %dma_wait3A_1354 = tpu.memref_slice %arg2[%add3A_1127, %dma_wait3A_1353] : memref<32768x128xf32, #tpu.memory_space<hbm>> -> memref<512x128xf32, #tpu.memory_space<hbm>>
      tpu.wait_dma2 semaphore(%run_scoped3A : memref<!tpu.dma_semaphore, #tpu.memory_space<semaphore_mem>>) src(%dma_wait3A_1354 : memref<512x128xf32, #tpu.memory_space<hbm>>) dst(%arg8 : memref<512x128xf32, #tpu.memory_space<vmem>>)
      tpu.yield
    }) : () -> ()
    %dma_start3A_1128 = arith.constant 0 : i32
    %dma_start3A_1129 = arith.constant 0 : i32
    %dma_start3A_1130 = arith.constant 0 : i32
    %dma_start3A_1131 = tpu.memref_slice %arg8[%dma_start3A_1129, %dma_start3A_1130] : memref<512x128xf32, #tpu.memory_space<vmem>> -> memref<128x128xf32, #tpu.memory_space<vmem>>
    %dma_start3A_1132 = arith.constant 0 : i32
    %dma_start3A_1133 = tpu.memref_slice %arg11[%dma_start3A_1128, %dma_start3A_1132] : memref<8x128xi32, #tpu.memory_space<vmem>> -> memref<1x128xi32, #tpu.memory_space<vmem>>
    %dma_start3A_1134 = tpu.memref_squeeze %dma_start3A_1133 : memref<1x128xi32, #tpu.memory_space<vmem>> -> memref<128xi32, #tpu.memory_space<vmem>>
    %dma_start3A_1135 = arith.constant 0 : i32
    %dma_start3A_1136 = arith.constant 0 : i32
    %dma_start3A_1137 = tpu.memref_slice %arg5[%dma_start3A_1135, %dma_start3A_1136] : memref<262160x128xf32, #tpu.memory_space<hbm>> -> memref<262160x128xf32, #tpu.memory_space<hbm>>
    tpu.enqueue_indirect_dma source(%dma_start3A_1131 : memref<128x128xf32, #tpu.memory_space<vmem>>) target(%dma_start3A_1137 : memref<262160x128xf32, #tpu.memory_space<hbm>>) offsets(%dma_start3A_1134 : memref<128xi32, #tpu.memory_space<vmem>>) semaphore(%arg15 : memref<!tpu.dma_semaphore, #tpu.memory_space<semaphore_mem>>)
    %dma_start3A_1138 = arith.constant 1 : i32
    %dma_start3A_1139 = arith.constant 128 : i32
    %dma_start3A_1140 = arith.constant 0 : i32
    %dma_start3A_1141 = tpu.memref_slice %arg8[%dma_start3A_1139, %dma_start3A_1140] : memref<512x128xf32, #tpu.memory_space<vmem>> -> memref<128x128xf32, #tpu.memory_space<vmem>>
    %dma_start3A_1142 = arith.constant 0 : i32
    %dma_start3A_1143 = tpu.memref_slice %arg11[%dma_start3A_1138, %dma_start3A_1142] : memref<8x128xi32, #tpu.memory_space<vmem>> -> memref<1x128xi32, #tpu.memory_space<vmem>>
    %dma_start3A_1144 = tpu.memref_squeeze %dma_start3A_1143 : memref<1x128xi32, #tpu.memory_space<vmem>> -> memref<128xi32, #tpu.memory_space<vmem>>
    %dma_start3A_1145 = arith.constant 0 : i32
    %dma_start3A_1146 = arith.constant 0 : i32
    %dma_start3A_1147 = tpu.memref_slice %arg5[%dma_start3A_1145, %dma_start3A_1146] : memref<262160x128xf32, #tpu.memory_space<hbm>> -> memref<262160x128xf32, #tpu.memory_space<hbm>>
    tpu.enqueue_indirect_dma source(%dma_start3A_1141 : memref<128x128xf32, #tpu.memory_space<vmem>>) target(%dma_start3A_1147 : memref<262160x128xf32, #tpu.memory_space<hbm>>) offsets(%dma_start3A_1144 : memref<128xi32, #tpu.memory_space<vmem>>) semaphore(%arg15 : memref<!tpu.dma_semaphore, #tpu.memory_space<semaphore_mem>>)
    %dma_start3A_1148 = arith.constant 2 : i32
    %dma_start3A_1149 = arith.constant 256 : i32
    %dma_start3A_1150 = arith.constant 0 : i32
    %dma_start3A_1151 = tpu.memref_slice %arg8[%dma_start3A_1149, %dma_start3A_1150] : memref<512x128xf32, #tpu.memory_space<vmem>> -> memref<128x128xf32, #tpu.memory_space<vmem>>
    %dma_start3A_1152 = arith.constant 0 : i32
    %dma_start3A_1153 = tpu.memref_slice %arg11[%dma_start3A_1148, %dma_start3A_1152] : memref<8x128xi32, #tpu.memory_space<vmem>> -> memref<1x128xi32, #tpu.memory_space<vmem>>
    %dma_start3A_1154 = tpu.memref_squeeze %dma_start3A_1153 : memref<1x128xi32, #tpu.memory_space<vmem>> -> memref<128xi32, #tpu.memory_space<vmem>>
    %dma_start3A_1155 = arith.constant 0 : i32
    %dma_start3A_1156 = arith.constant 0 : i32
    %dma_start3A_1157 = tpu.memref_slice %arg5[%dma_start3A_1155, %dma_start3A_1156] : memref<262160x128xf32, #tpu.memory_space<hbm>> -> memref<262160x128xf32, #tpu.memory_space<hbm>>
    tpu.enqueue_indirect_dma source(%dma_start3A_1151 : memref<128x128xf32, #tpu.memory_space<vmem>>) target(%dma_start3A_1157 : memref<262160x128xf32, #tpu.memory_space<hbm>>) offsets(%dma_start3A_1154 : memref<128xi32, #tpu.memory_space<vmem>>) semaphore(%arg15 : memref<!tpu.dma_semaphore, #tpu.memory_space<semaphore_mem>>)
    %dma_start3A_1158 = arith.constant 3 : i32
    %dma_start3A_1159 = arith.constant 384 : i32
    %dma_start3A_1160 = arith.constant 0 : i32
    %dma_start3A_1161 = tpu.memref_slice %arg8[%dma_start3A_1159, %dma_start3A_1160] : memref<512x128xf32, #tpu.memory_space<vmem>> -> memref<128x128xf32, #tpu.memory_space<vmem>>
    %dma_start3A_1162 = arith.constant 0 : i32
    %dma_start3A_1163 = tpu.memref_slice %arg11[%dma_start3A_1158, %dma_start3A_1162] : memref<8x128xi32, #tpu.memory_space<vmem>> -> memref<1x128xi32, #tpu.memory_space<vmem>>
    %dma_start3A_1164 = tpu.memref_squeeze %dma_start3A_1163 : memref<1x128xi32, #tpu.memory_space<vmem>> -> memref<128xi32, #tpu.memory_space<vmem>>
    %dma_start3A_1165 = arith.constant 0 : i32
    %dma_start3A_1166 = arith.constant 0 : i32
    %dma_start3A_1167 = tpu.memref_slice %arg5[%dma_start3A_1165, %dma_start3A_1166] : memref<262160x128xf32, #tpu.memory_space<hbm>> -> memref<262160x128xf32, #tpu.memory_space<hbm>>
    tpu.enqueue_indirect_dma source(%dma_start3A_1161 : memref<128x128xf32, #tpu.memory_space<vmem>>) target(%dma_start3A_1167 : memref<262160x128xf32, #tpu.memory_space<hbm>>) offsets(%dma_start3A_1164 : memref<128xi32, #tpu.memory_space<vmem>>) semaphore(%arg15 : memref<!tpu.dma_semaphore, #tpu.memory_space<semaphore_mem>>)
    %dma_wait3A = arith.constant 0 : i32
    %dma_wait3A_1168 = arith.constant 0 : i32
    %dma_wait3A_1169 = arith.constant 0 : i32
    %dma_wait3A_1170 = tpu.memref_slice %arg8[%dma_wait3A_1168, %dma_wait3A_1169] : memref<512x128xf32, #tpu.memory_space<vmem>> -> memref<128x128xf32, #tpu.memory_space<vmem>>
    %dma_wait3A_1171 = arith.constant 0 : i32
    %dma_wait3A_1172 = tpu.memref_slice %arg11[%dma_wait3A, %dma_wait3A_1171] : memref<8x128xi32, #tpu.memory_space<vmem>> -> memref<1x128xi32, #tpu.memory_space<vmem>>
    %dma_wait3A_1173 = tpu.memref_squeeze %dma_wait3A_1172 : memref<1x128xi32, #tpu.memory_space<vmem>> -> memref<128xi32, #tpu.memory_space<vmem>>
    %dma_wait3A_1174 = arith.constant 0 : i32
    %dma_wait3A_1175 = arith.constant 0 : i32
    %dma_wait3A_1176 = tpu.memref_slice %arg5[%dma_wait3A_1174, %dma_wait3A_1175] : memref<262160x128xf32, #tpu.memory_space<hbm>> -> memref<262160x128xf32, #tpu.memory_space<hbm>>
    tpu.wait_indirect_dma semaphore(%arg15 : memref<!tpu.dma_semaphore, #tpu.memory_space<semaphore_mem>>) src(%dma_wait3A_1170 : memref<128x128xf32, #tpu.memory_space<vmem>>) dst(%dma_wait3A_1176 : memref<262160x128xf32, #tpu.memory_space<hbm>>)
    %dma_wait3A_1177 = arith.constant 1 : i32
    %dma_wait3A_1178 = arith.constant 128 : i32
    %dma_wait3A_1179 = arith.constant 0 : i32
    %dma_wait3A_1180 = tpu.memref_slice %arg8[%dma_wait3A_1178, %dma_wait3A_1179] : memref<512x128xf32, #tpu.memory_space<vmem>> -> memref<128x128xf32, #tpu.memory_space<vmem>>
    %dma_wait3A_1181 = arith.constant 0 : i32
    %dma_wait3A_1182 = tpu.memref_slice %arg11[%dma_wait3A_1177, %dma_wait3A_1181] : memref<8x128xi32, #tpu.memory_space<vmem>> -> memref<1x128xi32, #tpu.memory_space<vmem>>
    %dma_wait3A_1183 = tpu.memref_squeeze %dma_wait3A_1182 : memref<1x128xi32, #tpu.memory_space<vmem>> -> memref<128xi32, #tpu.memory_space<vmem>>
    %dma_wait3A_1184 = arith.constant 0 : i32
    %dma_wait3A_1185 = arith.constant 0 : i32
    %dma_wait3A_1186 = tpu.memref_slice %arg5[%dma_wait3A_1184, %dma_wait3A_1185] : memref<262160x128xf32, #tpu.memory_space<hbm>> -> memref<262160x128xf32, #tpu.memory_space<hbm>>
    tpu.wait_indirect_dma semaphore(%arg15 : memref<!tpu.dma_semaphore, #tpu.memory_space<semaphore_mem>>) src(%dma_wait3A_1180 : memref<128x128xf32, #tpu.memory_space<vmem>>) dst(%dma_wait3A_1186 : memref<262160x128xf32, #tpu.memory_space<hbm>>)
    %dma_wait3A_1187 = arith.constant 2 : i32
    %dma_wait3A_1188 = arith.constant 256 : i32
    %dma_wait3A_1189 = arith.constant 0 : i32
    %dma_wait3A_1190 = tpu.memref_slice %arg8[%dma_wait3A_1188, %dma_wait3A_1189] : memref<512x128xf32, #tpu.memory_space<vmem>> -> memref<128x128xf32, #tpu.memory_space<vmem>>
    %dma_wait3A_1191 = arith.constant 0 : i32
    %dma_wait3A_1192 = tpu.memref_slice %arg11[%dma_wait3A_1187, %dma_wait3A_1191] : memref<8x128xi32, #tpu.memory_space<vmem>> -> memref<1x128xi32, #tpu.memory_space<vmem>>
    %dma_wait3A_1193 = tpu.memref_squeeze %dma_wait3A_1192 : memref<1x128xi32, #tpu.memory_space<vmem>> -> memref<128xi32, #tpu.memory_space<vmem>>
    %dma_wait3A_1194 = arith.constant 0 : i32
    %dma_wait3A_1195 = arith.constant 0 : i32
    %dma_wait3A_1196 = tpu.memref_slice %arg5[%dma_wait3A_1194, %dma_wait3A_1195] : memref<262160x128xf32, #tpu.memory_space<hbm>> -> memref<262160x128xf32, #tpu.memory_space<hbm>>
    tpu.wait_indirect_dma semaphore(%arg15 : memref<!tpu.dma_semaphore, #tpu.memory_space<semaphore_mem>>) src(%dma_wait3A_1190 : memref<128x128xf32, #tpu.memory_space<vmem>>) dst(%dma_wait3A_1196 : memref<262160x128xf32, #tpu.memory_space<hbm>>)
    %dma_wait3A_1197 = arith.constant 3 : i32
    %dma_wait3A_1198 = arith.constant 384 : i32
    %dma_wait3A_1199 = arith.constant 0 : i32
    %dma_wait3A_1200 = tpu.memref_slice %arg8[%dma_wait3A_1198, %dma_wait3A_1199] : memref<512x128xf32, #tpu.memory_space<vmem>> -> memref<128x128xf32, #tpu.memory_space<vmem>>
    %dma_wait3A_1201 = arith.constant 0 : i32
    %dma_wait3A_1202 = tpu.memref_slice %arg11[%dma_wait3A_1197, %dma_wait3A_1201] : memref<8x128xi32, #tpu.memory_space<vmem>> -> memref<1x128xi32, #tpu.memory_space<vmem>>
    %dma_wait3A_1203 = tpu.memref_squeeze %dma_wait3A_1202 : memref<1x128xi32, #tpu.memory_space<vmem>> -> memref<128xi32, #tpu.memory_space<vmem>>
    %dma_wait3A_1204 = arith.constant 0 : i32
    %dma_wait3A_1205 = arith.constant 0 : i32
    %dma_wait3A_1206 = tpu.memref_slice %arg5[%dma_wait3A_1204, %dma_wait3A_1205] : memref<262160x128xf32, #tpu.memory_space<hbm>> -> memref<262160x128xf32, #tpu.memory_space<hbm>>
    tpu.wait_indirect_dma semaphore(%arg15 : memref<!tpu.dma_semaphore, #tpu.memory_space<semaphore_mem>>) src(%dma_wait3A_1200 : memref<128x128xf32, #tpu.memory_space<vmem>>) dst(%dma_wait3A_1206 : memref<262160x128xf32, #tpu.memory_space<hbm>>)
    %add3A_1207 = arith.constant 512 : i32
    %add3A_1208 = arith.addi %mul3A_2, %add3A_1207 : i32
    "tpu.region"() ({
      %run_scoped3A = tpu.sem_alloc : memref<!tpu.dma_semaphore, #tpu.memory_space<semaphore_mem>>
      %dma_start3A_1347 = arith.constant 0 : i32
      %dma_start3A_1348 = tpu.memref_slice %arg2[%add3A_1208, %dma_start3A_1347] : memref<32768x128xf32, #tpu.memory_space<hbm>> -> memref<512x128xf32, #tpu.memory_space<hbm>>
      %dma_start3A_1349 = arith.constant 0 : i32
      %dma_start3A_1350 = tpu.memref_slice %arg2[%add3A_1208, %dma_start3A_1349] : memref<32768x128xf32, #tpu.memory_space<hbm>> -> memref<512x128xf32, #tpu.memory_space<hbm>>
      tpu.enqueue_dma source(%dma_start3A_1350 : memref<512x128xf32, #tpu.memory_space<hbm>>) target(%arg8 : memref<512x128xf32, #tpu.memory_space<vmem>>) target_semaphore(%run_scoped3A : memref<!tpu.dma_semaphore, #tpu.memory_space<semaphore_mem>>)
      %dma_wait3A_1351 = arith.constant 0 : i32
      %dma_wait3A_1352 = tpu.memref_slice %arg2[%add3A_1208, %dma_wait3A_1351] : memref<32768x128xf32, #tpu.memory_space<hbm>> -> memref<512x128xf32, #tpu.memory_space<hbm>>
      %dma_wait3A_1353 = arith.constant 0 : i32
      %dma_wait3A_1354 = tpu.memref_slice %arg2[%add3A_1208, %dma_wait3A_1353] : memref<32768x128xf32, #tpu.memory_space<hbm>> -> memref<512x128xf32, #tpu.memory_space<hbm>>
      tpu.wait_dma2 semaphore(%run_scoped3A : memref<!tpu.dma_semaphore, #tpu.memory_space<semaphore_mem>>) src(%dma_wait3A_1354 : memref<512x128xf32, #tpu.memory_space<hbm>>) dst(%arg8 : memref<512x128xf32, #tpu.memory_space<vmem>>)
      tpu.yield
    }) : () -> ()
    %dma_start3A_1209 = arith.constant 4 : i32
    %dma_start3A_1210 = arith.constant 0 : i32
    %dma_start3A_1211 = arith.constant 0 : i32
    %dma_start3A_1212 = tpu.memref_slice %arg8[%dma_start3A_1210, %dma_start3A_1211] : memref<512x128xf32, #tpu.memory_space<vmem>> -> memref<128x128xf32, #tpu.memory_space<vmem>>
    %dma_start3A_1213 = arith.constant 0 : i32
    %dma_start3A_1214 = tpu.memref_slice %arg11[%dma_start3A_1209, %dma_start3A_1213] : memref<8x128xi32, #tpu.memory_space<vmem>> -> memref<1x128xi32, #tpu.memory_space<vmem>>
    %dma_start3A_1215 = tpu.memref_squeeze %dma_start3A_1214 : memref<1x128xi32, #tpu.memory_space<vmem>> -> memref<128xi32, #tpu.memory_space<vmem>>
    %dma_start3A_1216 = arith.constant 0 : i32
    %dma_start3A_1217 = arith.constant 0 : i32
    %dma_start3A_1218 = tpu.memref_slice %arg5[%dma_start3A_1216, %dma_start3A_1217] : memref<262160x128xf32, #tpu.memory_space<hbm>> -> memref<262160x128xf32, #tpu.memory_space<hbm>>
    tpu.enqueue_indirect_dma source(%dma_start3A_1212 : memref<128x128xf32, #tpu.memory_space<vmem>>) target(%dma_start3A_1218 : memref<262160x128xf32, #tpu.memory_space<hbm>>) offsets(%dma_start3A_1215 : memref<128xi32, #tpu.memory_space<vmem>>) semaphore(%arg15 : memref<!tpu.dma_semaphore, #tpu.memory_space<semaphore_mem>>)
    %dma_start3A_1219 = arith.constant 5 : i32
    %dma_start3A_1220 = arith.constant 128 : i32
    %dma_start3A_1221 = arith.constant 0 : i32
    %dma_start3A_1222 = tpu.memref_slice %arg8[%dma_start3A_1220, %dma_start3A_1221] : memref<512x128xf32, #tpu.memory_space<vmem>> -> memref<128x128xf32, #tpu.memory_space<vmem>>
    %dma_start3A_1223 = arith.constant 0 : i32
    %dma_start3A_1224 = tpu.memref_slice %arg11[%dma_start3A_1219, %dma_start3A_1223] : memref<8x128xi32, #tpu.memory_space<vmem>> -> memref<1x128xi32, #tpu.memory_space<vmem>>
    %dma_start3A_1225 = tpu.memref_squeeze %dma_start3A_1224 : memref<1x128xi32, #tpu.memory_space<vmem>> -> memref<128xi32, #tpu.memory_space<vmem>>
    %dma_start3A_1226 = arith.constant 0 : i32
    %dma_start3A_1227 = arith.constant 0 : i32
    %dma_start3A_1228 = tpu.memref_slice %arg5[%dma_start3A_1226, %dma_start3A_1227] : memref<262160x128xf32, #tpu.memory_space<hbm>> -> memref<262160x128xf32, #tpu.memory_space<hbm>>
    tpu.enqueue_indirect_dma source(%dma_start3A_1222 : memref<128x128xf32, #tpu.memory_space<vmem>>) target(%dma_start3A_1228 : memref<262160x128xf32, #tpu.memory_space<hbm>>) offsets(%dma_start3A_1225 : memref<128xi32, #tpu.memory_space<vmem>>) semaphore(%arg15 : memref<!tpu.dma_semaphore, #tpu.memory_space<semaphore_mem>>)
    %dma_start3A_1229 = arith.constant 6 : i32
    %dma_start3A_1230 = arith.constant 256 : i32
    %dma_start3A_1231 = arith.constant 0 : i32
    %dma_start3A_1232 = tpu.memref_slice %arg8[%dma_start3A_1230, %dma_start3A_1231] : memref<512x128xf32, #tpu.memory_space<vmem>> -> memref<128x128xf32, #tpu.memory_space<vmem>>
    %dma_start3A_1233 = arith.constant 0 : i32
    %dma_start3A_1234 = tpu.memref_slice %arg11[%dma_start3A_1229, %dma_start3A_1233] : memref<8x128xi32, #tpu.memory_space<vmem>> -> memref<1x128xi32, #tpu.memory_space<vmem>>
    %dma_start3A_1235 = tpu.memref_squeeze %dma_start3A_1234 : memref<1x128xi32, #tpu.memory_space<vmem>> -> memref<128xi32, #tpu.memory_space<vmem>>
    %dma_start3A_1236 = arith.constant 0 : i32
    %dma_start3A_1237 = arith.constant 0 : i32
    %dma_start3A_1238 = tpu.memref_slice %arg5[%dma_start3A_1236, %dma_start3A_1237] : memref<262160x128xf32, #tpu.memory_space<hbm>> -> memref<262160x128xf32, #tpu.memory_space<hbm>>
    tpu.enqueue_indirect_dma source(%dma_start3A_1232 : memref<128x128xf32, #tpu.memory_space<vmem>>) target(%dma_start3A_1238 : memref<262160x128xf32, #tpu.memory_space<hbm>>) offsets(%dma_start3A_1235 : memref<128xi32, #tpu.memory_space<vmem>>) semaphore(%arg15 : memref<!tpu.dma_semaphore, #tpu.memory_space<semaphore_mem>>)
    %dma_start3A_1239 = arith.constant 7 : i32
    %dma_start3A_1240 = arith.constant 384 : i32
    %dma_start3A_1241 = arith.constant 0 : i32
    %dma_start3A_1242 = tpu.memref_slice %arg8[%dma_start3A_1240, %dma_start3A_1241] : memref<512x128xf32, #tpu.memory_space<vmem>> -> memref<128x128xf32, #tpu.memory_space<vmem>>
    %dma_start3A_1243 = arith.constant 0 : i32
    %dma_start3A_1244 = tpu.memref_slice %arg11[%dma_start3A_1239, %dma_start3A_1243] : memref<8x128xi32, #tpu.memory_space<vmem>> -> memref<1x128xi32, #tpu.memory_space<vmem>>
    %dma_start3A_1245 = tpu.memref_squeeze %dma_start3A_1244 : memref<1x128xi32, #tpu.memory_space<vmem>> -> memref<128xi32, #tpu.memory_space<vmem>>
    %dma_start3A_1246 = arith.constant 0 : i32
    %dma_start3A_1247 = arith.constant 0 : i32
    %dma_start3A_1248 = tpu.memref_slice %arg5[%dma_start3A_1246, %dma_start3A_1247] : memref<262160x128xf32, #tpu.memory_space<hbm>> -> memref<262160x128xf32, #tpu.memory_space<hbm>>
    tpu.enqueue_indirect_dma source(%dma_start3A_1242 : memref<128x128xf32, #tpu.memory_space<vmem>>) target(%dma_start3A_1248 : memref<262160x128xf32, #tpu.memory_space<hbm>>) offsets(%dma_start3A_1245 : memref<128xi32, #tpu.memory_space<vmem>>) semaphore(%arg15 : memref<!tpu.dma_semaphore, #tpu.memory_space<semaphore_mem>>)
    %dma_wait3A_1249 = arith.constant 4 : i32
    %dma_wait3A_1250 = arith.constant 0 : i32
    %dma_wait3A_1251 = arith.constant 0 : i32
    %dma_wait3A_1252 = tpu.memref_slice %arg8[%dma_wait3A_1250, %dma_wait3A_1251] : memref<512x128xf32, #tpu.memory_space<vmem>> -> memref<128x128xf32, #tpu.memory_space<vmem>>
    %dma_wait3A_1253 = arith.constant 0 : i32
    %dma_wait3A_1254 = tpu.memref_slice %arg11[%dma_wait3A_1249, %dma_wait3A_1253] : memref<8x128xi32, #tpu.memory_space<vmem>> -> memref<1x128xi32, #tpu.memory_space<vmem>>
    %dma_wait3A_1255 = tpu.memref_squeeze %dma_wait3A_1254 : memref<1x128xi32, #tpu.memory_space<vmem>> -> memref<128xi32, #tpu.memory_space<vmem>>
    %dma_wait3A_1256 = arith.constant 0 : i32
    %dma_wait3A_1257 = arith.constant 0 : i32
    %dma_wait3A_1258 = tpu.memref_slice %arg5[%dma_wait3A_1256, %dma_wait3A_1257] : memref<262160x128xf32, #tpu.memory_space<hbm>> -> memref<262160x128xf32, #tpu.memory_space<hbm>>
    tpu.wait_indirect_dma semaphore(%arg15 : memref<!tpu.dma_semaphore, #tpu.memory_space<semaphore_mem>>) src(%dma_wait3A_1252 : memref<128x128xf32, #tpu.memory_space<vmem>>) dst(%dma_wait3A_1258 : memref<262160x128xf32, #tpu.memory_space<hbm>>)
    %dma_wait3A_1259 = arith.constant 5 : i32
    %dma_wait3A_1260 = arith.constant 128 : i32
    %dma_wait3A_1261 = arith.constant 0 : i32
    %dma_wait3A_1262 = tpu.memref_slice %arg8[%dma_wait3A_1260, %dma_wait3A_1261] : memref<512x128xf32, #tpu.memory_space<vmem>> -> memref<128x128xf32, #tpu.memory_space<vmem>>
    %dma_wait3A_1263 = arith.constant 0 : i32
    %dma_wait3A_1264 = tpu.memref_slice %arg11[%dma_wait3A_1259, %dma_wait3A_1263] : memref<8x128xi32, #tpu.memory_space<vmem>> -> memref<1x128xi32, #tpu.memory_space<vmem>>
    %dma_wait3A_1265 = tpu.memref_squeeze %dma_wait3A_1264 : memref<1x128xi32, #tpu.memory_space<vmem>> -> memref<128xi32, #tpu.memory_space<vmem>>
    %dma_wait3A_1266 = arith.constant 0 : i32
    %dma_wait3A_1267 = arith.constant 0 : i32
    %dma_wait3A_1268 = tpu.memref_slice %arg5[%dma_wait3A_1266, %dma_wait3A_1267] : memref<262160x128xf32, #tpu.memory_space<hbm>> -> memref<262160x128xf32, #tpu.memory_space<hbm>>
    tpu.wait_indirect_dma semaphore(%arg15 : memref<!tpu.dma_semaphore, #tpu.memory_space<semaphore_mem>>) src(%dma_wait3A_1262 : memref<128x128xf32, #tpu.memory_space<vmem>>) dst(%dma_wait3A_1268 : memref<262160x128xf32, #tpu.memory_space<hbm>>)
    %dma_wait3A_1269 = arith.constant 6 : i32
    %dma_wait3A_1270 = arith.constant 256 : i32
    %dma_wait3A_1271 = arith.constant 0 : i32
    %dma_wait3A_1272 = tpu.memref_slice %arg8[%dma_wait3A_1270, %dma_wait3A_1271] : memref<512x128xf32, #tpu.memory_space<vmem>> -> memref<128x128xf32, #tpu.memory_space<vmem>>
    %dma_wait3A_1273 = arith.constant 0 : i32
    %dma_wait3A_1274 = tpu.memref_slice %arg11[%dma_wait3A_1269, %dma_wait3A_1273] : memref<8x128xi32, #tpu.memory_space<vmem>> -> memref<1x128xi32, #tpu.memory_space<vmem>>
    %dma_wait3A_1275 = tpu.memref_squeeze %dma_wait3A_1274 : memref<1x128xi32, #tpu.memory_space<vmem>> -> memref<128xi32, #tpu.memory_space<vmem>>
    %dma_wait3A_1276 = arith.constant 0 : i32
    %dma_wait3A_1277 = arith.constant 0 : i32
    %dma_wait3A_1278 = tpu.memref_slice %arg5[%dma_wait3A_1276, %dma_wait3A_1277] : memref<262160x128xf32, #tpu.memory_space<hbm>> -> memref<262160x128xf32, #tpu.memory_space<hbm>>
    tpu.wait_indirect_dma semaphore(%arg15 : memref<!tpu.dma_semaphore, #tpu.memory_space<semaphore_mem>>) src(%dma_wait3A_1272 : memref<128x128xf32, #tpu.memory_space<vmem>>) dst(%dma_wait3A_1278 : memref<262160x128xf32, #tpu.memory_space<hbm>>)
    %dma_wait3A_1279 = arith.constant 7 : i32
    %dma_wait3A_1280 = arith.constant 384 : i32
    %dma_wait3A_1281 = arith.constant 0 : i32
    %dma_wait3A_1282 = tpu.memref_slice %arg8[%dma_wait3A_1280, %dma_wait3A_1281] : memref<512x128xf32, #tpu.memory_space<vmem>> -> memref<128x128xf32, #tpu.memory_space<vmem>>
    %dma_wait3A_1283 = arith.constant 0 : i32
    %dma_wait3A_1284 = tpu.memref_slice %arg11[%dma_wait3A_1279, %dma_wait3A_1283] : memref<8x128xi32, #tpu.memory_space<vmem>> -> memref<1x128xi32, #tpu.memory_space<vmem>>
    %dma_wait3A_1285 = tpu.memref_squeeze %dma_wait3A_1284 : memref<1x128xi32, #tpu.memory_space<vmem>> -> memref<128xi32, #tpu.memory_space<vmem>>
    %dma_wait3A_1286 = arith.constant 0 : i32
    %dma_wait3A_1287 = arith.constant 0 : i32
    %dma_wait3A_1288 = tpu.memref_slice %arg5[%dma_wait3A_1286, %dma_wait3A_1287] : memref<262160x128xf32, #tpu.memory_space<hbm>> -> memref<262160x128xf32, #tpu.memory_space<hbm>>
    tpu.wait_indirect_dma semaphore(%arg15 : memref<!tpu.dma_semaphore, #tpu.memory_space<semaphore_mem>>) src(%dma_wait3A_1282 : memref<128x128xf32, #tpu.memory_space<vmem>>) dst(%dma_wait3A_1288 : memref<262160x128xf32, #tpu.memory_space<hbm>>)
    %dma_wait3A_1289 = arith.constant 0 : i32
    %dma_wait3A_1290 = arith.constant 0 : i32
    %dma_wait3A_1291 = tpu.memref_slice %arg11[%dma_wait3A_1289, %dma_wait3A_1290] : memref<8x128xi32, #tpu.memory_space<vmem>> -> memref<1x128xi32, #tpu.memory_space<vmem>>
    %dma_wait3A_1292 = tpu.memref_squeeze %dma_wait3A_1291 : memref<1x128xi32, #tpu.memory_space<vmem>> -> memref<128xi32, #tpu.memory_space<vmem>>
    %dma_wait3A_1293 = arith.constant 0 : i32
    %dma_wait3A_1294 = tpu.memref_slice %arg14[%dma_wait3A_1293] : memref<264192xf32, #tpu.memory_space<vmem_shared>> -> memref<264192xf32, #tpu.memory_space<vmem_shared>>
    tpu.wait_indirect_dma semaphore(%arg16 : memref<!tpu.dma_semaphore, #tpu.memory_space<semaphore_mem>>) src(%arg12 : memref<128xf32, #tpu.memory_space<vmem>>) dst(%dma_wait3A_1294 : memref<264192xf32, #tpu.memory_space<vmem_shared>>)
    %dma_wait3A_1295 = arith.constant 1 : i32
    %dma_wait3A_1296 = arith.constant 0 : i32
    %dma_wait3A_1297 = tpu.memref_slice %arg11[%dma_wait3A_1295, %dma_wait3A_1296] : memref<8x128xi32, #tpu.memory_space<vmem>> -> memref<1x128xi32, #tpu.memory_space<vmem>>
    %dma_wait3A_1298 = tpu.memref_squeeze %dma_wait3A_1297 : memref<1x128xi32, #tpu.memory_space<vmem>> -> memref<128xi32, #tpu.memory_space<vmem>>
    %dma_wait3A_1299 = arith.constant 0 : i32
    %dma_wait3A_1300 = tpu.memref_slice %arg14[%dma_wait3A_1299] : memref<264192xf32, #tpu.memory_space<vmem_shared>> -> memref<264192xf32, #tpu.memory_space<vmem_shared>>
    tpu.wait_indirect_dma semaphore(%arg16 : memref<!tpu.dma_semaphore, #tpu.memory_space<semaphore_mem>>) src(%arg12 : memref<128xf32, #tpu.memory_space<vmem>>) dst(%dma_wait3A_1300 : memref<264192xf32, #tpu.memory_space<vmem_shared>>)
    %dma_wait3A_1301 = arith.constant 2 : i32
    %dma_wait3A_1302 = arith.constant 0 : i32
    %dma_wait3A_1303 = tpu.memref_slice %arg11[%dma_wait3A_1301, %dma_wait3A_1302] : memref<8x128xi32, #tpu.memory_space<vmem>> -> memref<1x128xi32, #tpu.memory_space<vmem>>
    %dma_wait3A_1304 = tpu.memref_squeeze %dma_wait3A_1303 : memref<1x128xi32, #tpu.memory_space<vmem>> -> memref<128xi32, #tpu.memory_space<vmem>>
    %dma_wait3A_1305 = arith.constant 0 : i32
    %dma_wait3A_1306 = tpu.memref_slice %arg14[%dma_wait3A_1305] : memref<264192xf32, #tpu.memory_space<vmem_shared>> -> memref<264192xf32, #tpu.memory_space<vmem_shared>>
    tpu.wait_indirect_dma semaphore(%arg16 : memref<!tpu.dma_semaphore, #tpu.memory_space<semaphore_mem>>) src(%arg12 : memref<128xf32, #tpu.memory_space<vmem>>) dst(%dma_wait3A_1306 : memref<264192xf32, #tpu.memory_space<vmem_shared>>)
    %dma_wait3A_1307 = arith.constant 3 : i32
    %dma_wait3A_1308 = arith.constant 0 : i32
    %dma_wait3A_1309 = tpu.memref_slice %arg11[%dma_wait3A_1307, %dma_wait3A_1308] : memref<8x128xi32, #tpu.memory_space<vmem>> -> memref<1x128xi32, #tpu.memory_space<vmem>>
    %dma_wait3A_1310 = tpu.memref_squeeze %dma_wait3A_1309 : memref<1x128xi32, #tpu.memory_space<vmem>> -> memref<128xi32, #tpu.memory_space<vmem>>
    %dma_wait3A_1311 = arith.constant 0 : i32
    %dma_wait3A_1312 = tpu.memref_slice %arg14[%dma_wait3A_1311] : memref<264192xf32, #tpu.memory_space<vmem_shared>> -> memref<264192xf32, #tpu.memory_space<vmem_shared>>
    tpu.wait_indirect_dma semaphore(%arg16 : memref<!tpu.dma_semaphore, #tpu.memory_space<semaphore_mem>>) src(%arg12 : memref<128xf32, #tpu.memory_space<vmem>>) dst(%dma_wait3A_1312 : memref<264192xf32, #tpu.memory_space<vmem_shared>>)
    %dma_wait3A_1313 = arith.constant 4 : i32
    %dma_wait3A_1314 = arith.constant 0 : i32
    %dma_wait3A_1315 = tpu.memref_slice %arg11[%dma_wait3A_1313, %dma_wait3A_1314] : memref<8x128xi32, #tpu.memory_space<vmem>> -> memref<1x128xi32, #tpu.memory_space<vmem>>
    %dma_wait3A_1316 = tpu.memref_squeeze %dma_wait3A_1315 : memref<1x128xi32, #tpu.memory_space<vmem>> -> memref<128xi32, #tpu.memory_space<vmem>>
    %dma_wait3A_1317 = arith.constant 0 : i32
    %dma_wait3A_1318 = tpu.memref_slice %arg14[%dma_wait3A_1317] : memref<264192xf32, #tpu.memory_space<vmem_shared>> -> memref<264192xf32, #tpu.memory_space<vmem_shared>>
    tpu.wait_indirect_dma semaphore(%arg16 : memref<!tpu.dma_semaphore, #tpu.memory_space<semaphore_mem>>) src(%arg12 : memref<128xf32, #tpu.memory_space<vmem>>) dst(%dma_wait3A_1318 : memref<264192xf32, #tpu.memory_space<vmem_shared>>)
    %dma_wait3A_1319 = arith.constant 5 : i32
    %dma_wait3A_1320 = arith.constant 0 : i32
    %dma_wait3A_1321 = tpu.memref_slice %arg11[%dma_wait3A_1319, %dma_wait3A_1320] : memref<8x128xi32, #tpu.memory_space<vmem>> -> memref<1x128xi32, #tpu.memory_space<vmem>>
    %dma_wait3A_1322 = tpu.memref_squeeze %dma_wait3A_1321 : memref<1x128xi32, #tpu.memory_space<vmem>> -> memref<128xi32, #tpu.memory_space<vmem>>
    %dma_wait3A_1323 = arith.constant 0 : i32
    %dma_wait3A_1324 = tpu.memref_slice %arg14[%dma_wait3A_1323] : memref<264192xf32, #tpu.memory_space<vmem_shared>> -> memref<264192xf32, #tpu.memory_space<vmem_shared>>
    tpu.wait_indirect_dma semaphore(%arg16 : memref<!tpu.dma_semaphore, #tpu.memory_space<semaphore_mem>>) src(%arg12 : memref<128xf32, #tpu.memory_space<vmem>>) dst(%dma_wait3A_1324 : memref<264192xf32, #tpu.memory_space<vmem_shared>>)
    %dma_wait3A_1325 = arith.constant 6 : i32
    %dma_wait3A_1326 = arith.constant 0 : i32
    %dma_wait3A_1327 = tpu.memref_slice %arg11[%dma_wait3A_1325, %dma_wait3A_1326] : memref<8x128xi32, #tpu.memory_space<vmem>> -> memref<1x128xi32, #tpu.memory_space<vmem>>
    %dma_wait3A_1328 = tpu.memref_squeeze %dma_wait3A_1327 : memref<1x128xi32, #tpu.memory_space<vmem>> -> memref<128xi32, #tpu.memory_space<vmem>>
    %dma_wait3A_1329 = arith.constant 0 : i32
    %dma_wait3A_1330 = tpu.memref_slice %arg14[%dma_wait3A_1329] : memref<264192xf32, #tpu.memory_space<vmem_shared>> -> memref<264192xf32, #tpu.memory_space<vmem_shared>>
    tpu.wait_indirect_dma semaphore(%arg16 : memref<!tpu.dma_semaphore, #tpu.memory_space<semaphore_mem>>) src(%arg12 : memref<128xf32, #tpu.memory_space<vmem>>) dst(%dma_wait3A_1330 : memref<264192xf32, #tpu.memory_space<vmem_shared>>)
    %dma_wait3A_1331 = arith.constant 7 : i32
    %dma_wait3A_1332 = arith.constant 0 : i32
    %dma_wait3A_1333 = tpu.memref_slice %arg11[%dma_wait3A_1331, %dma_wait3A_1332] : memref<8x128xi32, #tpu.memory_space<vmem>> -> memref<1x128xi32, #tpu.memory_space<vmem>>
    %dma_wait3A_1334 = tpu.memref_squeeze %dma_wait3A_1333 : memref<1x128xi32, #tpu.memory_space<vmem>> -> memref<128xi32, #tpu.memory_space<vmem>>
    %dma_wait3A_1335 = arith.constant 0 : i32
    %dma_wait3A_1336 = tpu.memref_slice %arg14[%dma_wait3A_1335] : memref<264192xf32, #tpu.memory_space<vmem_shared>> -> memref<264192xf32, #tpu.memory_space<vmem_shared>>
    tpu.wait_indirect_dma semaphore(%arg16 : memref<!tpu.dma_semaphore, #tpu.memory_space<semaphore_mem>>) src(%arg12 : memref<128xf32, #tpu.memory_space<vmem>>) dst(%dma_wait3A_1336 : memref<264192xf32, #tpu.memory_space<vmem_shared>>)
    %barrier3A_1337 = arith.constant 0 : index
    tpu.barrier barrier_id(%barrier3A_1337)
    %mul3A_1338 = arith.constant 16512 : i32
    %mul3A_1339 = arith.muli %arg1, %mul3A_1338 : i32
    "tpu.region"() ({
      %run_scoped3A = tpu.sem_alloc : memref<!tpu.dma_semaphore, #tpu.memory_space<semaphore_mem>>
      %dma_start3A_1347 = tpu.memref_slice %arg14[%mul3A_1339] : memref<264192xf32, #tpu.memory_space<vmem_shared>> -> memref<16512xf32, #tpu.memory_space<vmem_shared>>
      %dma_start3A_1348 = tpu.memref_slice %arg14[%mul3A_1339] : memref<264192xf32, #tpu.memory_space<vmem_shared>> -> memref<16512xf32, #tpu.memory_space<vmem_shared>>
      tpu.enqueue_dma source(%dma_start3A_1348 : memref<16512xf32, #tpu.memory_space<vmem_shared>>) target(%arg13 : memref<16512xf32, #tpu.memory_space<vmem>>) target_semaphore(%run_scoped3A : memref<!tpu.dma_semaphore, #tpu.memory_space<semaphore_mem>>)
      %dma_wait3A_1349 = tpu.memref_slice %arg14[%mul3A_1339] : memref<264192xf32, #tpu.memory_space<vmem_shared>> -> memref<16512xf32, #tpu.memory_space<vmem_shared>>
      %dma_wait3A_1350 = tpu.memref_slice %arg14[%mul3A_1339] : memref<264192xf32, #tpu.memory_space<vmem_shared>> -> memref<16512xf32, #tpu.memory_space<vmem_shared>>
      tpu.wait_dma2 semaphore(%run_scoped3A : memref<!tpu.dma_semaphore, #tpu.memory_space<semaphore_mem>>) src(%dma_wait3A_1350 : memref<16512xf32, #tpu.memory_space<vmem_shared>>) dst(%arg13 : memref<16512xf32, #tpu.memory_space<vmem>>)
      tpu.yield
    }) : () -> ()
    %eq3A = arith.constant 0 : i32
    %eq3A_1340 = arith.cmpi eq, %arg0, %eq3A : i32
    %convert_element_type3A = arith.extui %eq3A_1340 : i1 to i32
    %cond3A = arith.constant 0 : i32
    %cond3A_1341 = arith.cmpi ne, %convert_element_type3A, %cond3A : i32
    scf.if %cond3A_1341 {
      %mul3A_1347 = arith.constant 16512 : i32
      %mul3A_1348 = arith.muli %arg1, %mul3A_1347 : i32
      "tpu.region"() ({
        %run_scoped3A = tpu.sem_alloc : memref<!tpu.dma_semaphore, #tpu.memory_space<semaphore_mem>>
        %dma_start3A_1349 = tpu.memref_slice %arg6[%mul3A_1348] : memref<264192xf32, #tpu.memory_space<hbm>> -> memref<16512xf32, #tpu.memory_space<hbm>>
        %dma_start3A_1350 = tpu.memref_slice %arg6[%mul3A_1348] : memref<264192xf32, #tpu.memory_space<hbm>> -> memref<16512xf32, #tpu.memory_space<hbm>>
        tpu.enqueue_dma source(%arg13 : memref<16512xf32, #tpu.memory_space<vmem>>) target(%dma_start3A_1350 : memref<16512xf32, #tpu.memory_space<hbm>>) target_semaphore(%run_scoped3A : memref<!tpu.dma_semaphore, #tpu.memory_space<semaphore_mem>>)
        %dma_wait3A_1351 = tpu.memref_slice %arg6[%mul3A_1348] : memref<264192xf32, #tpu.memory_space<hbm>> -> memref<16512xf32, #tpu.memory_space<hbm>>
        %dma_wait3A_1352 = tpu.memref_slice %arg6[%mul3A_1348] : memref<264192xf32, #tpu.memory_space<hbm>> -> memref<16512xf32, #tpu.memory_space<hbm>>
        tpu.wait_dma2 semaphore(%run_scoped3A : memref<!tpu.dma_semaphore, #tpu.memory_space<semaphore_mem>>) src(%arg13 : memref<16512xf32, #tpu.memory_space<vmem>>) dst(%dma_wait3A_1352 : memref<16512xf32, #tpu.memory_space<hbm>>)
        tpu.yield
      }) : () -> ()
    } else {
    }
    %eq3A_1342 = arith.constant 1 : i32
    %eq3A_1343 = arith.cmpi eq, %arg0, %eq3A_1342 : i32
    %convert_element_type3A_1344 = arith.extui %eq3A_1343 : i1 to i32
    %cond3A_1345 = arith.constant 0 : i32
    %cond3A_1346 = arith.cmpi ne, %convert_element_type3A_1344, %cond3A_1345 : i32
    scf.if %cond3A_1346 {
      %mul3A_1347 = arith.constant 16512 : i32
      %mul3A_1348 = arith.muli %arg1, %mul3A_1347 : i32
      "tpu.region"() ({
        %run_scoped3A = tpu.sem_alloc : memref<!tpu.dma_semaphore, #tpu.memory_space<semaphore_mem>>
        %dma_start3A_1349 = tpu.memref_slice %arg7[%mul3A_1348] : memref<264192xf32, #tpu.memory_space<hbm>> -> memref<16512xf32, #tpu.memory_space<hbm>>
        %dma_start3A_1350 = tpu.memref_slice %arg7[%mul3A_1348] : memref<264192xf32, #tpu.memory_space<hbm>> -> memref<16512xf32, #tpu.memory_space<hbm>>
        tpu.enqueue_dma source(%arg13 : memref<16512xf32, #tpu.memory_space<vmem>>) target(%dma_start3A_1350 : memref<16512xf32, #tpu.memory_space<hbm>>) target_semaphore(%run_scoped3A : memref<!tpu.dma_semaphore, #tpu.memory_space<semaphore_mem>>)
        %dma_wait3A_1351 = tpu.memref_slice %arg7[%mul3A_1348] : memref<264192xf32, #tpu.memory_space<hbm>> -> memref<16512xf32, #tpu.memory_space<hbm>>
        %dma_wait3A_1352 = tpu.memref_slice %arg7[%mul3A_1348] : memref<264192xf32, #tpu.memory_space<hbm>> -> memref<16512xf32, #tpu.memory_space<hbm>>
        tpu.wait_dma2 semaphore(%run_scoped3A : memref<!tpu.dma_semaphore, #tpu.memory_space<semaphore_mem>>) src(%arg13 : memref<16512xf32, #tpu.memory_space<vmem>>) dst(%dma_wait3A_1352 : memref<16512xf32, #tpu.memory_space<hbm>>)
        tpu.yield
      }) : () -> ()
    } else {
    }
    return
  }
}

module attributes {stable_mosaic.version = 14 : i64} {
  func.func @_tc_body(%arg0: i32, %arg1: memref<2048x128xf32, #tpu.memory_space<vmem>>, %arg2: memref<1x2048xf32, #tpu.memory_space<vmem>>, %arg3: memref<1x2048xf32, #tpu.memory_space<vmem>>, %arg4: memref<64x2048xf32, #tpu.memory_space<vmem>>) attributes {dimension_semantics = [#tpu.dimension_semantics<parallel>], iteration_bounds = array<i64: 128>, scalar_prefetch = 0 : i64, scratch_operands = 0 : i64, tpu.core_type = #tpu.core_type<tc>, window_params = [{transform_indices = @transform_0, window_bounds = array<i64: 2048, 128>}, {transform_indices = @transform_1, window_bounds = array<i64: 1, 2048>}, {transform_indices = @transform_2, window_bounds = array<i64: 1, 2048>}, {transform_indices = @transform_3, window_bounds = array<i64: 64, 2048>}]} {
    %get3A = arith.constant 0 : index
    %get3A_0 = arith.constant 0 : index
    %get3A_1 = vector.load %arg2[%get3A, %get3A_0] : memref<1x2048xf32, #tpu.memory_space<vmem>>, vector<1x2048xf32>
    %get3A_2 = arith.constant 0 : index
    %get3A_3 = arith.constant 0 : index
    %get3A_4 = vector.load %arg3[%get3A_2, %get3A_3] : memref<1x2048xf32, #tpu.memory_space<vmem>>, vector<1x2048xf32>
    %add3A = arith.addf %get3A_1, %get3A_4 : vector<1x2048xf32>
    %ne3A = arith.constant 0.000000e+00 : f32
    %ne3A_5 = vector.broadcast %ne3A : f32 to vector<1x2048xf32>
    %ne3A_6 = arith.cmpf one, %add3A, %ne3A_5 : vector<1x2048xf32>
    %get3A_7 = arith.constant 0 : index
    %get3A_8 = arith.constant 0 : index
    %get3A_9 = vector.load %arg1[%get3A_7, %get3A_8] : memref<2048x128xf32, #tpu.memory_space<vmem>>, vector<2048x64xf32>
    %transpose3A = tpu.transpose %get3A_9, [1, 0] : vector<2048x64xf32> -> vector<64x2048xf32>
    %jit3A = arith.constant 0.000000e+00 : f32
    %broadcast_in_dim3A = vector.shape_cast %ne3A_6 : vector<1x2048xi1> to vector<1x2048xi1>
    %broadcast_in_dim3A_10 = vector.broadcast %broadcast_in_dim3A : vector<1x2048xi1> to vector<64x2048xi1>
    %broadcast_in_dim3A_11 = vector.broadcast %jit3A : f32 to vector<64x2048xf32>
    %select_n3A = arith.select %broadcast_in_dim3A_10, %transpose3A, %broadcast_in_dim3A_11 : vector<64x2048xi1>, vector<64x2048xf32>
    %swap3A = arith.constant 0 : index
    %swap3A_12 = arith.constant 0 : index
    %swap3A_13 = vector.load %arg4[%swap3A, %swap3A_12] : memref<64x2048xf32, #tpu.memory_space<vmem>>, vector<64x2048xf32>
    tpu.vector_store %arg4[%swap3A, %swap3A_12], %select_n3A {strides = array<i32>} : memref<64x2048xf32, #tpu.memory_space<vmem>>, vector<64x2048xf32>,
    return
  }
  func.func @transform_0(%arg0: i32) -> (i32, i32) {
    %c0_i32 = arith.constant 0 : i32
    %c0_i32_0 = arith.constant 0 : i32
    return %arg0, %c0_i32 : i32, i32
  }
  func.func @transform_1(%arg0: i32) -> (i32, i32) {
    %c0_i32 = arith.constant 0 : i32
    %c0_i32_0 = arith.constant 0 : i32
    return %c0_i32, %arg0 : i32, i32
  }
  func.func @transform_2(%arg0: i32) -> (i32, i32) {
    %c0_i32 = arith.constant 0 : i32
    %c0_i32_0 = arith.constant 0 : i32
    return %c0_i32, %arg0 : i32, i32
  }
  func.func @transform_3(%arg0: i32) -> (i32, i32) {
    %c0_i32 = arith.constant 0 : i32
    %c0_i32_0 = arith.constant 0 : i32
    return %c0_i32, %arg0 : i32, i32
  }
}

</mosaic_0001>

<sc_bundles>
// kernel: kernel.4.cloned.1.call-start
scs
__scs_entry_jumppad:
0x0: {  	(pc) =	sbr.rel $0x88, $3  }
0x1: {  	(tag) =	ssettag $0x0;
	lr =	simm.s32 $0x1  }
0x2: {  	[smem:$0x3F9F] =	sst lr;
	_ =	strace $0xD0000000  }
0x3: {  	_ = 	snop  }
0x4: {  	_ = 	snop  }
0x5: {  	_ = 	snop  }
0x6: {  	_ = 	snop  }
0x7: {  	_ = 	snop  }
__scs_overlays_trampoline_lowered:
0x8: {  	[smem:$0x3FAE] =	sst s0  }
0x9: {  	[smem:$0x3FAF] =	sst s1  }
0xa: {  	[smem:$0x3FB0] =	sst s2  }
0xb: {  	[smem:$0x3FB1] =	sst s3  }
0xc: {  	[smem:$0x3FB2] =	sst s4  }
0xd: {  	[smem:$0x3FB3] =	sst s5  }
0xe: {  	[smem:$0x3FB4] =	sst s6  }
0xf: {  	[smem:$0x3FB5] =	sst s7  }
0x10: {  	[smem:$0x3FB6] =	sst s8  }
0x11: {  	[smem:$0x3FB7] =	sst s9;
	s0 =	simm.s32 @!p0 $0x0  }
0x12: {  	s1 =	sld [smem:$0x3F9D];
	s0 =	simm.s32 @p0 $0x1  }
0x13: {  	[smem:$0x3FB8] =	sst s0;
	s0 =	simm.s32 @!p1 $0x0  }
0x14: {  	s2 =	sld [smem:$0x3F9C];
	s0 =	simm.s32 @p1 $0x1  }
0x15: {  	[smem:$0x3FB9] =	sst s0;
	s0 =	simm.s32 @!p2 $0x0  }
0x16: {  	s3 =	sld [smem:$0x3FDB];
	s0 =	simm.s32 @p2 $0x1  }
0x17: {  	s4 =	simm.s32 $0x1BF5;
	[smem:$0x3FBB] =	sst s0  }
0x18: {  	s0 =	sld [smem:$0x3F9E];
	_ =	swait.ge [sflag:s4], $0x0  }
0x19: {  	s7 =	sld [smem:$0x3F9F]  }
0x1a: {  	s8 =	sadd.s32 $0xFFFFE003, lr  }
0x1b: {  	s9 =	sadd.s32 $0xFFFFFEF7, lr;
	s5 =	simm.s32 $0xFFFFFFFF;
	p2 =	slt.u32 s8, $0xFFFFF086  }
0x1c: {  	p1 =	slt.u32 s9, $0xF7A;
	s5 =	simm.s32 @!p2 $0x0  }
0x1d: {  	s5 =	simm.s32 @p1 $0x1;
	p0 =	seq.s32 s7, s2  }
0x1e: {  	s7 =	smul.u32 @!p0 $0xF7A, s2;
	p2 =	seq.s32 @!p0 s5, $0x0  }
0x1f: {  	s9 =	smul.u32 $0xF7A, s1;
	s8 =	simm.s32 @!p0 $0x1BF5;
	p2 =	por !p2, p0  }
0x20: {  	[sflag:s8] =	ssyncset.s32 @!p0 $0xFFFFF086;
	s6 =	sadd.s32 @!p0 s3, s7;
	s7 =	simm.s32 @!p0 $0x108  }
0x21: {  	s3 =	sadd.s32 s3, s9;
	s6 =	sadd.s32 @!p0 $0x88, s6;
	s7 =	simm.s32 @p2 $0x1082  }
0x22: {  	[simem:s7], [sflag:s8] =	dma.local @!p0 [hbm:s6], $0xF7A  }
0x23: {  	s9 =	sor.u32 $0xD0000000, s2;
	s6 =	simm.s32 $0x108;
	_ =	swait.ge @!p0 [sflag:s8], $0x0  }
0x24: {  	s3 =	sadd.s32 $0x88, s3;
	s6 =	simm.s32 @!p1 $0x1082;
	[sflag:s4] =	ssyncset.s32 $0xFFFFF086  }
0x25: {  	[simem:s6], [sflag:s4] =	dma.local [hbm:s3], $0xF7A  }
0x26: {  	[smem:$0x3F9F] =	sst s1;
	(tag) =	ssettag s2;
	_ =	strace s9  }
0x27: {  	s1 =	sld [smem:$0x3FAF]  }
0x28: {  	s2 =	sld [smem:$0x3FB0]  }
0x29: {  	s4 =	sld [smem:$0x3FB2]  }
0x2a: {  	p0 =	seq.s32 s5, $0x0;
	s5 =	sld [smem:$0x3FB3]  }
0x2b: {  	s6 =	sld [smem:$0x3FB4]  }
0x2c: {  	s7 =	sld [smem:$0x3FB5]  }
0x2d: {  	s3 =	simm.s32 $0x108;
	s8 =	sld [smem:$0x3FB6]  }
0x2e: {  	s3 =	simm.s32 @!p0 $0x1082;
	s9 =	sld [smem:$0x3FB7]  }
0x2f: {  	lr =	sadd.s32 s0, s3;
	s0 =	sld [smem:$0x3FAE]  }
0x30: {  	s3 =	sld [smem:$0x3FB1]  }
0x31: {  	[smem:$0x3FBA] =	sst s10  }
0x32: {  	s10 =	sld [smem:$0x3FB8];
	_ =	sdelay $0x3  }
0x33: {  	p0 =	seq.s32 s10, $0x1;
	s10 =	sld [smem:$0x3FBA];
	_ =	sdelay $0x3  }
0x34: {  	[smem:$0x3FBA] =	sst s10  }
0x35: {  	s10 =	sld [smem:$0x3FB9];
	_ =	sdelay $0x3  }
0x36: {  	p1 =	seq.s32 s10, $0x1;
	s10 =	sld [smem:$0x3FBA];
	_ =	sdelay $0x3  }
0x37: {  	[smem:$0x3FBA] =	sst s10  }
0x38: {  	s10 =	sld [smem:$0x3FBB]  }
0x39: {  	_ = 	snop;
	(pc) =	sbr.ind lr, $3  }
0x3a: {  	_ = 	snop  }
0x3b: {  	_ = 	snop  }
0x3c: {  	p2 =	seq.s32 s10, $0x1;
	s10 =	sld [smem:$0x3FBA]  }
0x3d: {  	_ =	shalt  }
0x3e: {  	_ =	shalt  }
0x3f: {  	_ =	shalt  }
0x40: {  	_ =	shalt  }
0x41: {  	_ =	shalt  }
0x42: {  	_ =	shalt  }
0x43: {  	_ =	shalt  }
0x44: {  	_ =	shalt  }
0x45: {  	_ =	shalt  }
0x46: {  	_ =	shalt  }
0x47: {  	_ =	shalt  }
0x48: {  	_ =	shalt  }
0x49: {  	_ =	shalt  }
0x4a: {  	_ =	shalt  }
0x4b: {  	_ =	shalt  }
0x4c: {  	_ =	shalt  }
0x4d: {  	_ =	shalt  }
0x4e: {  	_ =	shalt  }
0x4f: {  	_ =	shalt  }
0x50: {  	_ =	shalt  }
0x51: {  	_ =	shalt  }
0x52: {  	_ =	shalt  }
0x53: {  	_ =	shalt  }
0x54: {  	_ =	shalt  }
0x55: {  	_ =	shalt  }
0x56: {  	_ =	shalt  }
0x57: {  	_ =	shalt  }
0x58: {  	_ =	shalt  }
0x59: {  	_ =	shalt  }
0x5a: {  	_ =	shalt  }
0x5b: {  	_ =	shalt  }
0x5c: {  	_ =	shalt  }
0x5d: {  	_ =	shalt  }
0x5e: {  	_ =	shalt  }
0x5f: {  	_ =	shalt  }
0x60: {  	_ =	shalt  }
0x61: {  	_ =	shalt  }
0x62: {  	_ =	shalt  }
0x63: {  	_ =	shalt  }
0x64: {  	_ =	shalt  }
0x65: {  	_ =	shalt  }
0x66: {  	_ =	shalt  }
0x67: {  	_ =	shalt  }
0x68: {  	_ =	shalt  }
0x69: {  	_ =	shalt  }
0x6a: {  	_ =	shalt  }
0x6b: {  	_ =	shalt  }
0x6c: {  	_ =	shalt  }
0x6d: {  	_ =	shalt  }
0x6e: {  	_ =	shalt  }
0x6f: {  	_ =	shalt  }
0x70: {  	_ =	shalt  }
0x71: {  	_ =	shalt  }
0x72: {  	_ =	shalt  }
0x73: {  	_ =	shalt  }
0x74: {  	_ =	shalt  }
0x75: {  	_ =	shalt  }
0x76: {  	_ =	shalt  }
0x77: {  	_ =	shalt  }
0x78: {  	_ =	shalt  }
0x79: {  	_ =	shalt  }
0x7a: {  	_ =	shalt  }
0x7b: {  	_ =	shalt  }
0x7c: {  	_ =	shalt  }
0x7d: {  	_ =	shalt  }
0x7e: {  	_ =	shalt  }
0x7f: {  	_ =	shalt  }
0x80: {  	_ =	shalt  }
0x81: {  	_ =	shalt  }
0x82: {  	_ =	shalt  }
0x83: {  	_ =	shalt  }
0x84: {  	_ =	shalt  }
0x85: {  	_ =	shalt  }
0x86: {  	_ =	shalt  }
0x87: {  	_ =	shalt  }
.Lfunc_end0:
.L_simem_size_0:
called_computation.1_lowered:
.L_overlay_start_0:
0x88: {  	s2 =	sld [smem:$0x3FD9]  }
0x89: {  	s3 =	sld [smem:$0x3FFE];
	_ =	sdelay $0x1  }
0x8a: {  	s1 =	srdreg.scid  }
0x8b: {  	s0 =	sand.u32 $0x1, s1  }
0x8c: {  	s17 =	sshll.u32 s0, $0xA;
	s2 =	sadd.s32 s3, s2  }
0x8d: {  	s2 =	sadd.s32 s2, s17  }
0x8e: {  	[smem:$0x3FC6] =	sst s2  }
0x8f: {  	_ = 	snop  }
0x90: {  	s2 =	sld [smem:$0x3FD0];
	(tm) =	ssettm $0x1  }
0x91: {  	s18 =	sld [smem:$0x3FFB];
	_ =	sdelay $0x3  }
0x92: {  	_ =	strace s18  }
0x93: {  	s3 =	sld [smem:$0x3FFC];
	_ =	sdelay $0x3  }
0x94: {  	_ =	strace s3  }
0x95: {  	s3 =	sld [smem:$0x3FFD];
	_ =	sdelay $0x3  }
0x96: {  	_ =	strace s3  }
0x97: {  	_ =	strace $0x8FFFFFFF  }
0x98: {  	s19 =	sld [smem:$0x3FDB];
	_ =	sdelay $0x1  }
0x99: {  	s4 =	simm.s32 $_scs_section_size  }
0x9a: {  	s5 =	simm.s32 $_size__tile_overlayer_lowered;
	s6 =	simm.s32 $_tile_overlayer_lowered  }
0x9b: {  	s22 =	simm.s32 $0x1BFF;
	s21 =	sshll.u32 s6, $0x1;
	s3 =	sadd.s32 s4, s19  }
0x9c: {  	s7 =	simm.s32 $0x0;
	s20 =	sshll.u32 s5, $0x1;
	s5 =	sadd.s32 s21, s3  }
0x9d: {  	[timem:s7], [sflag:s22] =	dma.local [hbm:s5], s20  }
0x9e: {  	_ =	swait.ge [sflag:s22], s20  }
0x9f: {  	s4 =	ssub.s32 $0x0, s20;
	[sflag:s22] =	ssyncset.done $0x0  }
0xa0: {  	[sflag:s22] =	ssyncadd.s32 s4;
	_ =	sdelay $0x1  }
0xa1: {  	s23 =	simm.s32 $0x1B8B  }
0xa2: {  	_ =	swait.ge [sflag:s23], $0x1  }
0xa3: {  	[sflag:s23] =	ssyncset.done $0x0  }
0xa4: {  	s25 =	simm.s32 $0x1B8E;
	s24 =	sld [smem:$0x3FFE];
	[sflag:s23] =	ssyncadd.s32 $0xFFFFFFFF  }
0xa5: {  	s26 =	simm.s32 $execute0_lowered;
	[smem:$0x3FD2] =	sst s25  }
0xa6: {  	s5 =	sshll.u32 s26, $0x1;
	_ =	strace $0x80000046;
	[dreg:$0x1] =	wrdreg $0xFFFFFFFF  }
0xa7: {  	s28 =	simm.s32 $_size_execute0_lowered;
	s3 =	sadd.s32 s3, s5;
	[dreg:$0x0] =	wrdreg $0x0  }
0xa8: {  	s5 =	sshll.u32 s28, $0x1;
	[dreg:$0x2] =	wrdreg s3  }
0xa9: {  	[dreg:$0x3] =	wrdreg s5  }
0xaa: {  	[dreg:$0x4] =	wrdreg $0xC0  }
0xab: {  	_ =	task [dreg:s7], $0x5FFFF  }
0xac: {  	[dreg:$0x1] =	wrdreg $0xFFFFFFFF  }
0xad: {  	[dreg:$0x0] =	wrdreg $0x60  }
0xae: {  	[dreg:$0x2] =	wrdreg s2  }
0xaf: {  	[dreg:$0x3] =	wrdreg s24  }
0xb0: {  	[dreg:$0x4] =	wrdreg $0x14D000  }
0xb1: {  	[dreg:$0x5] =	wrdreg $0x9  }
0xb2: {  	_ =	task.clear_ibuf [dreg:s7], $0x6FFFF;
	_ =	strace $0x90000046  }
0xb3: {  	s29 =	simm.s32 $0x9;
	_ =	strace $0x80000048  }
0xb4: {  	_ =	swait.ge [sflag:s29], $0x1  }
0xb5: {  	[sflag:s29] =	ssyncadd.s32 $0xFFFFFFFF  }
0xb6: {  	_ =	strace $0x90000048  }
0xb7: {  	_ =	sfence  }
0xb8: {  	s30 =	sld [smem:$0x0];
	_ =	sdelay $0x2  }
0xb9: {  	s31 =	sshll.u32 s1, $0xD;
	s1 =	sshrl.u32 s1, $0x2  }
0xba: {  	s3 =	sand.u32 $0x4000, s31;
	s1 =	sadd.s32 s1, s30  }
0xbb: {  	s0 =	sor.u32 s3, s0;
	s1 =	sshll.u32 s1, $0x11  }
0xbc: {  	s0 =	sor.u32 s1, s0  }
0xbd: {  	s0 =	sadd.s32 $0x8F2B, s0  }
0xbe: {  	[sflag:s0] =	ssyncadd.remote.s32 $0x1  }
0xbf: {  	_ =	sfence.sel $0xFFFF  }
0xc0: {  	[dreg:$0x0] =	wrdreg $0xFFFFFFFF;
	(pc) =	sbr.abs _section_cstart, $3  }
0xc1: {  	[dreg:$0x1] =	wrdreg $0xFFFFFFFF  }
0xc2: {  	_ =	task.clear_ibuf [dreg:s7], $0x2FFFF;
	_ =	strace $0x9FFFFFFF  }
0xc3: {  	(tm) =	ssettm $0x7FFFFFFF  }
tec
execute0_lowered:
.L_overlay_start_1:
0x0: {  	(tag) =	ssettag $0x1  }
0x1: {  	s0 =	rddreg [dreg:$0x0]  }
0x2: {  	s1 =	srdreg.scid;
	s11 =	rddreg [dreg:$0x1]  }
0x3: {  	s9 =	stileid.u32;
	s2 =	rddreg [dreg:$0x2];
	s3 =	simm.s32 $0x0  }
0x4: {  	s13 =	simm.s32 $0x3;
	s14 =	simm.s32 $0x10400;
	s15 =	simm.s32 $0x10C80  }
0x5: {  	s16 =	simm.s32 $0x80;
	s17 =	simm.s32 $0x10800;
	s18 =	simm.s32 $0x10C00  }
0x6: {  	s19 =	simm.s32 $0x10880;
	s20 =	simm.s32 $0x10900;
	s21 =	simm.s32 $0x10980  }
0x7: {  	s22 =	simm.s32 $0x10A00;
	s23 =	simm.s32 $0x10A80;
	s24 =	simm.s32 $0x10B00  }
0x8: {  	s28 =	simm.s32 $0x8000;
	s29 =	simm.s32 $0xC000;
	s30 =	simm.s32 $0x1  }
0x9: {  	s31 =	simm.s32 $0x2;
	s1 =	sand.u32 $0x1, s1;
	s5 =	sshll.u32 s9, $0xA  }
0xa: {  	[smem:$0x7FF] =	sst s3;
	s12 =	smul.u32 $0x4080, s9;
	s4 =	sshll.u32 s1, $0xE  }
0xb: {  	s25 =	ssub.s32 $0x2, s1;
	_ =	strace $0x80000047;
	p0 =	seq.s32 s1, $0x1  }
0xc: {  	s1 =	simm.s32 $0x0;
	s7 =	sor.u32 s5, s4;
	s8 =	sshrl.u32 s25, $0x1  }
0xd: {  	s26 =	sshrl.u32 s12, $0x3;
	s4 =	sshrl.u32 s7, $0x3;
	s10 =	ssub.s32 s25, s8  }
0xe: {  	s7 =	sshll.u32 s7, $0x4;
	s8 =	sadd.s32 s12, s2;
	s25 =	simm.s32 $0x10B80  }
0xf: {  	s6 =	sadd.s32 s4, s11;
	s7 =	sadd.s32 s0, s7;
	s0 =	simm.s32 $0xAA00  }
0x10: {  	s4 =	sadd.s32 $0x12C00, s11;
	s10 =	smax.u32 s10, $0x1;
	s0 =	simm.s32 @!p0 $0x2800  }
0x11: {  	s5 =	sadd.s32 $0x1800, s6;
	s6 =	sadd.s32 $0x800, s6;
	s0 =	sadd.s32 s0, s11  }
0x12: {  	v0 =	vimm.f32 $0.0e+00;
	s9 =	sadd.s32 $0x2000, s7;
	s11 =	sadd.s32 s0, s26;
	s26 =	simm.s32 $0x4000  }
.LBB2_1:
0x13: {  	s0 =	simm.s32 $0x40;
	s12 =	simm.s32 $0x0  }
.LBB2_2:
0x14: {  	p0 =	sne.s32 s0, $0x101C0;
	[tilespmem:s12+$0x10C80] =	vst v0;
	s12 =	smov.u32 s0;
	s0 =	sadd.s32 $0x40, s0  }
.Ltmp0:
0x15: {  	(pc) =	sbr.rel @p0 .LBB2_2-.Ltmp0, $2  }
0x16: {  	_ =	sdelay $0x2  }
0x17: {  	s12 =	sshra.s32 s12, $0x2  }
0x18: {  	[tilespmem:s12+$0x10C80] =	vst v0;
	v1 =	vimm.f32 $1.000000000e+00  }
0x19: {  	[tilespmem:$0x10C00] =	vst v1  }
0x1a: {  	[tilespmem:$0x10C10] =	vst v1  }
0x1b: {  	[tilespmem:$0x10C20] =	vst v1  }
0x1c: {  	[tilespmem:$0x10C30] =	vst v1  }
0x1d: {  	[tilespmem:$0x10C40] =	vst v1  }
0x1e: {  	[tilespmem:$0x10C50] =	vst v1  }
0x1f: {  	[tilespmem:$0x10C60] =	vst v1  }
0x20: {  	s0 =	simm.s32 $0x10000;
	[tilespmem:$0x10C70] =	vst v1  }
0x21: {  	[tilespmem:s0], [sflag:$0x3] =	stream.linear.gather [hbm4b:s5+s3], $0x400, $0x38;
	[tilespmem:$0x18D80] =	vst v63  }
0x22: {  	_ =	swait.ge [sflag:s13], $0x400  }
0x23: {  	[sflag:s13] =	ssyncset.done $0x0  }
0x24: {  	[sflag:s13] =	ssyncadd.s32 $0xFFFFFC00  }
0x25: {  	[tilespmem:s14], [sflag:$0x3] =	stream.linear.gather [hbm4b:s6+s3], $0x400, $0x38;
	[tilespmem:$0x18D80] =	vst v63  }
0x26: {  	_ =	swait.ge [sflag:s13], $0x400  }
0x27: {  	[sflag:s13] =	ssyncset.done $0x0  }
0x28: {  	[sflag:s13] =	ssyncadd.s32 $0xFFFFFC00  }
0x29: {  	v3 =	vld [tilespmem:$0x10000]  }
0x2a: {  	v4 =	vld [tilespmem:$0x10400]  }
0x2b: {  	v9 =	vld [tilespmem:$0x10010]  }
0x2c: {  	v10 =	vld [tilespmem:$0x10410]  }
0x2d: {  	v13 =	vld [tilespmem:$0x10020]  }
0x2e: {  	v14 =	vld [tilespmem:$0x10420]  }
0x2f: {  	v15 =	vld [tilespmem:$0x10030]  }
0x30: {  	v16 =	vld [tilespmem:$0x10430]  }
0x31: {  	v17 =	vld [tilespmem:$0x10040]  }
0x32: {  	v18 =	vld [tilespmem:$0x10440]  }
0x33: {  	v19 =	vld [tilespmem:$0x10050]  }
0x34: {  	v20 =	vld [tilespmem:$0x10450]  }
0x35: {  	v21 =	vld [tilespmem:$0x10060]  }
0x36: {  	v22 =	vld [tilespmem:$0x10460]  }
0x37: {  	v23 =	vld [tilespmem:$0x10070]  }
0x38: {  	v24 =	vld [tilespmem:$0x10470]  }
0x39: {  	v25 =	vld [tilespmem:$0x10080]  }
0x3a: {  	v26 =	vld [tilespmem:$0x10480]  }
0x3b: {  	v27 =	vld [tilespmem:$0x10090]  }
0x3c: {  	v28 =	vld [tilespmem:$0x10490]  }
0x3d: {  	v29 =	vld [tilespmem:$0x100A0]  }
0x3e: {  	v30 =	vld [tilespmem:$0x104A0]  }
0x3f: {  	v31 =	vld [tilespmem:$0x100B0]  }
0x40: {  	v32 =	vld [tilespmem:$0x104B0]  }
0x41: {  	v1 =	vld [tilespmem:$0x105E0]  }
0x42: {  	v33 =	vld [tilespmem:$0x100C0]  }
0x43: {  	v34 =	vld [tilespmem:$0x104C0]  }
0x44: {  	v35 =	vld [tilespmem:$0x100D0]  }
0x45: {  	v36 =	vld [tilespmem:$0x104D0]  }
0x46: {  	[tilespmem:$0x1FFA0] =	vst v1;
	v1 =	vld [tilespmem:$0x105F0]  }
0x47: {  	v37 =	vld [tilespmem:$0x100E0]  }
0x48: {  	v38 =	vld [tilespmem:$0x104E0]  }
0x49: {  	v39 =	vld [tilespmem:$0x100F0]  }
0x4a: {  	v40 =	vld [tilespmem:$0x104F0]  }
0x4b: {  	[tilespmem:$0x1FFB0] =	vst v1;
	v1 =	vld [tilespmem:$0x10200]  }
0x4c: {  	v41 =	vld [tilespmem:$0x10100]  }
0x4d: {  	v42 =	vld [tilespmem:$0x10500]  }
0x4e: {  	v43 =	vld [tilespmem:$0x10110]  }
0x4f: {  	v44 =	vld [tilespmem:$0x10510]  }
0x50: {  	[tilespmem:$0x1FFC0] =	vst v1;
	v1 =	vld [tilespmem:$0x10600]  }
0x51: {  	v45 =	vld [tilespmem:$0x10120]  }
0x52: {  	v46 =	vld [tilespmem:$0x10520]  }
0x53: {  	v47 =	vld [tilespmem:$0x10130]  }
0x54: {  	v48 =	vld [tilespmem:$0x10530]  }
0x55: {  	[tilespmem:$0x1FFD0] =	vst v1;
	v1 =	vld [tilespmem:$0x10210]  }
0x56: {  	v49 =	vld [tilespmem:$0x10140]  }
0x57: {  	v50 =	vld [tilespmem:$0x10540]  }
0x58: {  	v51 =	vld [tilespmem:$0x10150]  }
0x59: {  	v52 =	vld [tilespmem:$0x10550]  }
0x5a: {  	[tilespmem:$0x1FFE0] =	vst v1;
	v1 =	vld [tilespmem:$0x10610]  }
0x5b: {  	v53 =	vld [tilespmem:$0x10160]  }
0x5c: {  	v54 =	vld [tilespmem:$0x10560]  }
0x5d: {  	v55 =	vld [tilespmem:$0x10170]  }
0x5e: {  	v56 =	vld [tilespmem:$0x10570]  }
0x5f: {  	v57 =	vld [tilespmem:$0x10180];
	[tilespmem:$0x1FFF0] =	vst v1;
	v1 =	vshll.u32 v3, $0x9  }
0x60: {  	v58 =	vld [tilespmem:$0x10580];
	v9 =	vshll.u32 v9, $0x9;
	v1 =	vadd.s32 v4, v1  }
0x61: {  	v59 =	vld [tilespmem:$0x10190];
	v13 =	vshll.u32 v13, $0x9;
	[tilespmem:$0x10800] =	vst v1;
	v1 =	vadd.s32 v10, v9  }
0x62: {  	v60 =	vld [tilespmem:$0x10590];
	[tilespmem:$0x10810] =	vst v1;
	v1 =	vadd.s32 v14, v13;
	v13 =	vshll.u32 v15, $0x9  }
0x63: {  	v61 =	vld [tilespmem:$0x101A0];
	v17 =	vshll.u32 v17, $0x9;
	[tilespmem:$0x10820] =	vst v1;
	v1 =	vadd.s32 v16, v13  }
0x64: {  	v62 =	vld [tilespmem:$0x105A0];
	v19 =	vshll.u32 v19, $0x9;
	[tilespmem:$0x10830] =	vst v1;
	v1 =	vadd.s32 v18, v17  }
0x65: {  	v63 =	vld [tilespmem:$0x101B0];
	v21 =	vshll.u32 v21, $0x9;
	[tilespmem:$0x10840] =	vst v1;
	v1 =	vadd.s32 v20, v19  }
0x66: {  	v5 =	vld [tilespmem:$0x105B0];
	v23 =	vshll.u32 v23, $0x9;
	[tilespmem:$0x10850] =	vst v1;
	v1 =	vadd.s32 v22, v21  }
0x67: {  	v2 =	vld [tilespmem:$0x101C0];
	v25 =	vshll.u32 v25, $0x9;
	[tilespmem:$0x10860] =	vst v1;
	v1 =	vadd.s32 v24, v23  }
0x68: {  	v7 =	vld [tilespmem:$0x105C0];
	v27 =	vshll.u32 v27, $0x9;
	[tilespmem:$0x10870] =	vst v1;
	v1 =	vadd.s32 v26, v25  }
0x69: {  	v6 =	vld [tilespmem:$0x101D0];
	v29 =	vshll.u32 v29, $0x9;
	[tilespmem:$0x10880] =	vst v1;
	v1 =	vadd.s32 v28, v27  }
0x6a: {  	v11 =	vld [tilespmem:$0x105D0];
	v31 =	vshll.u32 v31, $0x9;
	[tilespmem:$0x10890] =	vst v1;
	v1 =	vadd.s32 v30, v29  }
0x6b: {  	v8 =	vld [tilespmem:$0x101E0];
	v33 =	vshll.u32 v33, $0x9;
	[tilespmem:$0x108A0] =	vst v1;
	v1 =	vadd.s32 v32, v31  }
0x6c: {  	v12 =	vld [tilespmem:$0x101F0];
	v35 =	vshll.u32 v35, $0x9;
	[tilespmem:$0x108B0] =	vst v1;
	v1 =	vadd.s32 v34, v33  }
0x6d: {  	v37 =	vshll.u32 v37, $0x9;
	v3 =	vld [tilespmem:$0x10220];
	[tilespmem:$0x108C0] =	vst v1;
	v1 =	vadd.s32 v36, v35  }
0x6e: {  	v39 =	vshll.u32 v39, $0x9;
	v4 =	vld [tilespmem:$0x10620];
	[tilespmem:$0x108D0] =	vst v1;
	v1 =	vadd.s32 v38, v37  }
0x6f: {  	v41 =	vshll.u32 v41, $0x9;
	v9 =	vld [tilespmem:$0x10230];
	[tilespmem:$0x108E0] =	vst v1;
	v1 =	vadd.s32 v40, v39  }
0x70: {  	v43 =	vshll.u32 v43, $0x9;
	v10 =	vld [tilespmem:$0x10630];
	[tilespmem:$0x108F0] =	vst v1;
	v1 =	vadd.s32 v42, v41  }
0x71: {  	v45 =	vshll.u32 v45, $0x9;
	v14 =	vld [tilespmem:$0x10240];
	[tilespmem:$0x10900] =	vst v1;
	v1 =	vadd.s32 v44, v43  }
0x72: {  	v15 =	vld [tilespmem:$0x10640];
	[tilespmem:$0x10910] =	vst v1;
	v1 =	vadd.s32 v46, v45;
	v46 =	vshll.u32 v47, $0x9  }
0x73: {  	v16 =	vld [tilespmem:$0x10250];
	v47 =	vshll.u32 v49, $0x9;
	[tilespmem:$0x10920] =	vst v1;
	v1 =	vadd.s32 v48, v46  }
0x74: {  	v17 =	vld [tilespmem:$0x10650];
	v48 =	vshll.u32 v51, $0x9;
	[tilespmem:$0x10930] =	vst v1;
	v1 =	vadd.s32 v50, v47  }
0x75: {  	v18 =	vld [tilespmem:$0x10260];
	v49 =	vshll.u32 v53, $0x9;
	[tilespmem:$0x10940] =	vst v1;
	v1 =	vadd.s32 v52, v48  }
0x76: {  	v19 =	vld [tilespmem:$0x10660];
	v50 =	vshll.u32 v55, $0x9;
	[tilespmem:$0x10950] =	vst v1;
	v1 =	vadd.s32 v54, v49  }
0x77: {  	v20 =	vld [tilespmem:$0x10270];
	v52 =	vshll.u32 v57, $0x9;
	[tilespmem:$0x10960] =	vst v1;
	v1 =	vadd.s32 v56, v50  }
0x78: {  	v21 =	vld [tilespmem:$0x10670];
	v54 =	vshll.u32 v59, $0x9;
	[tilespmem:$0x10970] =	vst v1;
	v1 =	vadd.s32 v58, v52  }
0x79: {  	v22 =	vld [tilespmem:$0x10280];
	v56 =	vshll.u32 v61, $0x9;
	[tilespmem:$0x10980] =	vst v1;
	v1 =	vadd.s32 v60, v54  }
0x7a: {  	v23 =	vld [tilespmem:$0x10680];
	v58 =	vshll.u32 v63, $0x9;
	[tilespmem:$0x10990] =	vst v1;
	v1 =	vadd.s32 v62, v56  }
0x7b: {  	v2 =	vshll.u32 v2, $0x9;
	v24 =	vld [tilespmem:$0x10290];
	[tilespmem:$0x109A0] =	vst v1;
	v1 =	vadd.s32 v5, v58  }
0x7c: {  	v25 =	vld [tilespmem:$0x10690];
	[tilespmem:$0x109B0] =	vst v1;
	v1 =	vadd.s32 v7, v2;
	v2 =	vshll.u32 v6, $0x9  }
0x7d: {  	v26 =	vld [tilespmem:$0x102A0];
	[tilespmem:$0x109C0] =	vst v1;
	v1 =	vadd.s32 v11, v2  }
0x7e: {  	[tilespmem:$0x109D0] =	vst v1;
	v1 =	vld [tilespmem:$0x1FFA0]  }
0x7f: {  	v27 =	vld [tilespmem:$0x106A0]  }
0x80: {  	v28 =	vld [tilespmem:$0x102B0]  }
0x81: {  	v29 =	vld [tilespmem:$0x106B0]  }
0x82: {  	v30 =	vld [tilespmem:$0x102C0];
	v2 =	vshll.u32 v8, $0x9  }
0x83: {  	v31 =	vld [tilespmem:$0x106C0];
	v1 =	vadd.s32 v1, v2  }
0x84: {  	[tilespmem:$0x109E0] =	vst v1;
	v1 =	vld [tilespmem:$0x1FFB0]  }
0x85: {  	v32 =	vld [tilespmem:$0x102D0]  }
0x86: {  	v38 =	vld [tilespmem:$0x10320]  }
0x87: {  	v39 =	vld [tilespmem:$0x10720]  }
0x88: {  	v40 =	vld [tilespmem:$0x10730];
	v2 =	vshll.u32 v12, $0x9  }
0x89: {  	v1 =	vadd.s32 v1, v2;
	v2 =	vld [tilespmem:$0x1FFC0]  }
0x8a: {  	[tilespmem:$0x109F0] =	vst v1;
	v1 =	vld [tilespmem:$0x1FFD0]  }
0x8b: {  	v41 =	vld [tilespmem:$0x10340]  }
0x8c: {  	v42 =	vld [tilespmem:$0x10740]  }
0x8d: {  	v43 =	vld [tilespmem:$0x10350]  }
0x8e: {  	v44 =	vld [tilespmem:$0x10750];
	v2 =	vshll.u32 v2, $0x9  }
0x8f: {  	v1 =	vadd.s32 v1, v2;
	v2 =	vld [tilespmem:$0x1FFE0]  }
0x90: {  	[tilespmem:$0x10A00] =	vst v1;
	v1 =	vld [tilespmem:$0x1FFF0]  }
0x91: {  	v53 =	vld [tilespmem:$0x102E0]  }
0x92: {  	v45 =	vld [tilespmem:$0x10360]  }
0x93: {  	v51 =	vld [tilespmem:$0x106D0]  }
0x94: {  	v46 =	vld [tilespmem:$0x10760];
	v2 =	vshll.u32 v2, $0x9  }
0x95: {  	v55 =	vld [tilespmem:$0x106E0];
	v1 =	vadd.s32 v1, v2;
	v2 =	vshll.u32 v3, $0x9  }
0x96: {  	v47 =	vld [tilespmem:$0x10370];
	[tilespmem:$0x10A10] =	vst v1;
	v1 =	vadd.s32 v4, v2;
	v2 =	vshll.u32 v9, $0x9  }
0x97: {  	v57 =	vld [tilespmem:$0x102F0];
	[tilespmem:$0x10A20] =	vst v1;
	v1 =	vadd.s32 v10, v2;
	v2 =	vshll.u32 v14, $0x9  }
0x98: {  	v48 =	vld [tilespmem:$0x10770];
	[tilespmem:$0x10A30] =	vst v1;
	v1 =	vadd.s32 v15, v2;
	v2 =	vshll.u32 v16, $0x9  }
0x99: {  	v59 =	vld [tilespmem:$0x106F0];
	[tilespmem:$0x10A40] =	vst v1;
	v1 =	vadd.s32 v17, v2;
	v2 =	vshll.u32 v18, $0x9  }
0x9a: {  	v49 =	vld [tilespmem:$0x10380];
	[tilespmem:$0x10A50] =	vst v1;
	v1 =	vadd.s32 v19, v2;
	v2 =	vshll.u32 v20, $0x9  }
0x9b: {  	v61 =	vld [tilespmem:$0x10700];
	[tilespmem:$0x10A60] =	vst v1;
	v1 =	vadd.s32 v21, v2;
	v2 =	vshll.u32 v22, $0x9  }
0x9c: {  	v50 =	vld [tilespmem:$0x10780];
	[tilespmem:$0x10A70] =	vst v1;
	v1 =	vadd.s32 v23, v2;
	v2 =	vshll.u32 v24, $0x9  }
0x9d: {  	v63 =	vld [tilespmem:$0x10710];
	[tilespmem:$0x10A80] =	vst v1;
	v1 =	vadd.s32 v25, v2;
	v2 =	vshll.u32 v26, $0x9  }
0x9e: {  	v60 =	vld [tilespmem:$0x10300];
	[tilespmem:$0x10A90] =	vst v1;
	v1 =	vadd.s32 v27, v2;
	v2 =	vshll.u32 v28, $0x9  }
0x9f: {  	v62 =	vld [tilespmem:$0x10310];
	[tilespmem:$0x10AA0] =	vst v1;
	v1 =	vadd.s32 v29, v2;
	v2 =	vshll.u32 v30, $0x9  }
0xa0: {  	v52 =	vld [tilespmem:$0x10790];
	[tilespmem:$0x10AB0] =	vst v1;
	v1 =	vadd.s32 v31, v2;
	v2 =	vshll.u32 v32, $0x9  }
0xa1: {  	v3 =	vld [tilespmem:$0x10330];
	[tilespmem:$0x10AC0] =	vst v1;
	v1 =	vadd.s32 v51, v2;
	v2 =	vshll.u32 v53, $0x9  }
0xa2: {  	v54 =	vld [tilespmem:$0x107A0];
	[tilespmem:$0x10AD0] =	vst v1;
	v1 =	vadd.s32 v55, v2;
	v2 =	vshll.u32 v57, $0x9  }
0xa3: {  	v56 =	vld [tilespmem:$0x103C0];
	[tilespmem:$0x10AE0] =	vst v1;
	v1 =	vadd.s32 v59, v2;
	v2 =	vshll.u32 v60, $0x9  }
0xa4: {  	v58 =	vld [tilespmem:$0x103D0];
	[tilespmem:$0x10AF0] =	vst v1;
	v1 =	vadd.s32 v61, v2;
	v2 =	vshll.u32 v62, $0x9  }
0xa5: {  	v51 =	vld [tilespmem:$0x10390];
	[tilespmem:$0x10B00] =	vst v1;
	v1 =	vadd.s32 v63, v2;
	v2 =	vshll.u32 v38, $0x9  }
0xa6: {  	v53 =	vld [tilespmem:$0x103A0];
	[tilespmem:$0x10B10] =	vst v1;
	v1 =	vadd.s32 v39, v2;
	v2 =	vshll.u32 v3, $0x9  }
0xa7: {  	v55 =	vld [tilespmem:$0x103B0];
	[tilespmem:$0x10B20] =	vst v1;
	v1 =	vadd.s32 v40, v2;
	v2 =	vshll.u32 v41, $0x9  }
0xa8: {  	v57 =	vld [tilespmem:$0x107C0];
	[tilespmem:$0x10B30] =	vst v1;
	v1 =	vadd.s32 v42, v2;
	v2 =	vshll.u32 v43, $0x9  }
0xa9: {  	v59 =	vld [tilespmem:$0x107D0];
	[tilespmem:$0x10B40] =	vst v1;
	v1 =	vadd.s32 v44, v2;
	v2 =	vshll.u32 v45, $0x9  }
0xaa: {  	v3 =	vld [tilespmem:$0x107B0];
	[tilespmem:$0x10B50] =	vst v1;
	v1 =	vadd.s32 v46, v2;
	v2 =	vshll.u32 v47, $0x9  }
0xab: {  	v60 =	vld [tilespmem:$0x103E0];
	[tilespmem:$0x10B60] =	vst v1;
	v1 =	vadd.s32 v48, v2;
	v2 =	vshll.u32 v49, $0x9  }
0xac: {  	v61 =	vld [tilespmem:$0x107E0];
	[tilespmem:$0x10B70] =	vst v1;
	v1 =	vadd.s32 v50, v2;
	v2 =	vshll.u32 v51, $0x9  }
0xad: {  	v62 =	vld [tilespmem:$0x103F0];
	[tilespmem:$0x10B80] =	vst v1;
	v1 =	vadd.s32 v52, v2;
	v2 =	vshll.u32 v53, $0x9  }
0xae: {  	v63 =	vld [tilespmem:$0x107F0];
	[tilespmem:$0x10B90] =	vst v1;
	v1 =	vadd.s32 v54, v2;
	v2 =	vshll.u32 v55, $0x9  }
0xaf: {  	[tilespmem:$0x10BA0] =	vst v1;
	v1 =	vadd.s32 v3, v2;
	v2 =	vshll.u32 v56, $0x9  }
0xb0: {  	[tilespmem:$0x10BB0] =	vst v1;
	v1 =	vadd.s32 v57, v2;
	v2 =	vshll.u32 v58, $0x9  }
0xb1: {  	[tilespmem:$0x10BC0] =	vst v1;
	v1 =	vadd.s32 v59, v2;
	v2 =	vshll.u32 v60, $0x9  }
0xb2: {  	[tilespmem:$0x10BD0] =	vst v1;
	v1 =	vadd.s32 v61, v2;
	v2 =	vshll.u32 v62, $0x9  }
0xb3: {  	[tilespmem:$0x10BE0] =	vst v1;
	v1 =	vadd.s32 v63, v2  }
0xb4: {  	[tilespmem:$0x10BF0] =	vst v1  }
0xb5: {  	[spmem:s8] =	stream.linear.scatter [tilespmem:s15], [sflag:$0x3], $0x4080, $0x38;
	[tilespmem:$0x18D80] =	vst v63  }
0xb6: {  	_ =	swait.ge [sflag:s13], $0x4080  }
0xb7: {  	[sflag:s13] =	ssyncset.done $0x0  }
0xb8: {  	[sflag:s13] =	ssyncadd.s32 $0xFFFFBF80  }
0xb9: {  	[bflag:$0x0] =	sbarrier.arrive $0xFFFF  }
0xba: {  	[spmem:s2] =	stream.indirect.scatter [tilespmem:s18], [sflag:$0x2], $0x1, s17, s16, $0xb8;
	[tilespmem:$0x18D80] =	vst v63  }
0xbb: {  	_ = 	snop  }
0xbc: {  	[spmem:s2] =	stream.indirect.scatter [tilespmem:s18], [sflag:$0x2], $0x1, s19, s16, $0xb8;
	[tilespmem:$0x18D80] =	vst v63  }
0xbd: {  	_ = 	snop  }
0xbe: {  	[spmem:s2] =	stream.indirect.scatter [tilespmem:s18], [sflag:$0x2], $0x1, s20, s16, $0xb8;
	[tilespmem:$0x18D80] =	vst v63  }
0xbf: {  	_ = 	snop  }
0xc0: {  	[spmem:s2] =	stream.indirect.scatter [tilespmem:s18], [sflag:$0x2], $0x1, s21, s16, $0xb8;
	[tilespmem:$0x18D80] =	vst v63  }
0xc1: {  	_ = 	snop  }
0xc2: {  	[spmem:s2] =	stream.indirect.scatter [tilespmem:s18], [sflag:$0x2], $0x1, s22, s16, $0xb8;
	[tilespmem:$0x18D80] =	vst v63  }
0xc3: {  	_ = 	snop  }
0xc4: {  	[spmem:s2] =	stream.indirect.scatter [tilespmem:s18], [sflag:$0x2], $0x1, s23, s16, $0xb8;
	[tilespmem:$0x18D80] =	vst v63  }
0xc5: {  	_ = 	snop  }
0xc6: {  	[spmem:s2] =	stream.indirect.scatter [tilespmem:s18], [sflag:$0x2], $0x1, s24, s16, $0xb8;
	[tilespmem:$0x18D80] =	vst v63  }
0xc7: {  	_ = 	snop  }
0xc8: {  	[spmem:s2] =	stream.indirect.scatter [tilespmem:s18], [sflag:$0x2], $0x1, s25, s16, $0xb8;
	[tilespmem:$0x18D80] =	vst v63  }
0xc9: {  	_ = 	snop  }
0xca: {  	[tilespmem:s3], [sflag:$0x3] =	stream.linear.gather [hbm4b:s7+s3], $0x10000, $0x38;
	[tilespmem:$0x18D80] =	vst v63  }
0xcb: {  	_ =	swait.ge [sflag:s13], $0x10000  }
0xcc: {  	[sflag:s13] =	ssyncset.done $0x0  }
0xcd: {  	[sflag:s13] =	ssyncadd.s32 $0xFFFF0000  }
0xce: {  	[hbm4b:s4+s16] =	stream.indirect.scatter [tilespmem:s3], [sflag:$0x1], $0x80, s17, s16, $0xb8;
	[tilespmem:$0x18D80] =	vst v63  }
0xcf: {  	_ = 	snop  }
0xd0: {  	[hbm4b:s4+s16] =	stream.indirect.scatter [tilespmem:s26], [sflag:$0x1], $0x80, s19, s16, $0xb8;
	[tilespmem:$0x18D80] =	vst v63  }
0xd1: {  	_ = 	snop  }
0xd2: {  	[hbm4b:s4+s16] =	stream.indirect.scatter [tilespmem:s28], [sflag:$0x1], $0x80, s20, s16, $0xb8;
	[tilespmem:$0x18D80] =	vst v63  }
0xd3: {  	_ = 	snop  }
0xd4: {  	[hbm4b:s4+s16] =	stream.indirect.scatter [tilespmem:s29], [sflag:$0x1], $0x80, s21, s16, $0xb8;
	[tilespmem:$0x18D80] =	vst v63  }
0xd5: {  	_ =	swait.ge [sflag:s30], $0x4000  }
0xd6: {  	[sflag:s30] =	ssyncset.done $0x0  }
0xd7: {  	[sflag:s30] =	ssyncadd.s32 $0xFFFFC000  }
0xd8: {  	_ =	swait.ge [sflag:s30], $0x4000  }
0xd9: {  	[sflag:s30] =	ssyncset.done $0x0  }
0xda: {  	[sflag:s30] =	ssyncadd.s32 $0xFFFFC000  }
0xdb: {  	_ =	swait.ge [sflag:s30], $0x4000  }
0xdc: {  	[sflag:s30] =	ssyncset.done $0x0  }
0xdd: {  	[sflag:s30] =	ssyncadd.s32 $0xFFFFC000  }
0xde: {  	_ =	swait.ge [sflag:s30], $0x4000  }
0xdf: {  	[sflag:s30] =	ssyncset.done $0x0  }
0xe0: {  	[sflag:s30] =	ssyncadd.s32 $0xFFFFC000  }
0xe1: {  	[tilespmem:s3], [sflag:$0x3] =	stream.linear.gather [hbm4b:s9+s3], $0x10000, $0x38;
	[tilespmem:$0x18D80] =	vst v63  }
0xe2: {  	_ =	swait.ge [sflag:s13], $0x10000  }
0xe3: {  	[sflag:s13] =	ssyncset.done $0x0  }
0xe4: {  	[sflag:s13] =	ssyncadd.s32 $0xFFFF0000  }
0xe5: {  	[hbm4b:s4+s16] =	stream.indirect.scatter [tilespmem:s3], [sflag:$0x1], $0x80, s22, s16, $0xb8;
	[tilespmem:$0x18D80] =	vst v63  }
0xe6: {  	_ = 	snop  }
0xe7: {  	[hbm4b:s4+s16] =	stream.indirect.scatter [tilespmem:s26], [sflag:$0x1], $0x80, s23, s16, $0xb8;
	[tilespmem:$0x18D80] =	vst v63  }
0xe8: {  	_ = 	snop  }
0xe9: {  	[hbm4b:s4+s16] =	stream.indirect.scatter [tilespmem:s28], [sflag:$0x1], $0x80, s24, s16, $0xb8;
	[tilespmem:$0x18D80] =	vst v63  }
0xea: {  	_ = 	snop  }
0xeb: {  	[hbm4b:s4+s16] =	stream.indirect.scatter [tilespmem:s29], [sflag:$0x1], $0x80, s25, s16, $0xb8;
	[tilespmem:$0x18D80] =	vst v63  }
0xec: {  	_ =	swait.ge [sflag:s30], $0x4000  }
0xed: {  	[sflag:s30] =	ssyncset.done $0x0  }
0xee: {  	[sflag:s30] =	ssyncadd.s32 $0xFFFFC000  }
0xef: {  	_ =	swait.ge [sflag:s30], $0x4000  }
0xf0: {  	[sflag:s30] =	ssyncset.done $0x0  }
0xf1: {  	[sflag:s30] =	ssyncadd.s32 $0xFFFFC000  }
0xf2: {  	_ =	swait.ge [sflag:s30], $0x4000  }
0xf3: {  	[sflag:s30] =	ssyncset.done $0x0  }
0xf4: {  	[sflag:s30] =	ssyncadd.s32 $0xFFFFC000  }
0xf5: {  	_ =	swait.ge [sflag:s30], $0x4000  }
0xf6: {  	[sflag:s30] =	ssyncset.done $0x0  }
0xf7: {  	[sflag:s30] =	ssyncadd.s32 $0xFFFFC000  }
0xf8: {  	_ =	swait.ge [sflag:s31], $0x80  }
0xf9: {  	[sflag:s31] =	ssyncset.done $0x0  }
0xfa: {  	[sflag:s31] =	ssyncadd.s32 $0xFFFFFF80  }
0xfb: {  	_ =	swait.ge [sflag:s31], $0x80  }
0xfc: {  	[sflag:s31] =	ssyncset.done $0x0  }
0xfd: {  	[sflag:s31] =	ssyncadd.s32 $0xFFFFFF80  }
0xfe: {  	_ =	swait.ge [sflag:s31], $0x80  }
0xff: {  	[sflag:s31] =	ssyncset.done $0x0  }
0x100: {  	[sflag:s31] =	ssyncadd.s32 $0xFFFFFF80  }
0x101: {  	_ =	swait.ge [sflag:s31], $0x80  }
0x102: {  	[sflag:s31] =	ssyncset.done $0x0  }
0x103: {  	[sflag:s31] =	ssyncadd.s32 $0xFFFFFF80  }
0x104: {  	_ =	swait.ge [sflag:s31], $0x80  }
0x105: {  	[sflag:s31] =	ssyncset.done $0x0  }
0x106: {  	[sflag:s31] =	ssyncadd.s32 $0xFFFFFF80  }
0x107: {  	_ =	swait.ge [sflag:s31], $0x80  }
0x108: {  	[sflag:s31] =	ssyncset.done $0x0  }
0x109: {  	[sflag:s31] =	ssyncadd.s32 $0xFFFFFF80  }
0x10a: {  	_ =	swait.ge [sflag:s31], $0x80  }
0x10b: {  	[sflag:s31] =	ssyncset.done $0x0  }
0x10c: {  	[sflag:s31] =	ssyncadd.s32 $0xFFFFFF80  }
0x10d: {  	_ =	swait.ge [sflag:s31], $0x80  }
0x10e: {  	[sflag:s31] =	ssyncset.done $0x0  }
0x10f: {  	[sflag:s31] =	ssyncadd.s32 $0xFFFFFF80  }
0x110: {  	[bflag:$0x0] =	sbarrier.arrive $0xFFFF  }
0x111: {  	[tilespmem:s15], [sflag:$0x3] =	stream.linear.gather [spmem:s8], $0x4080, $0x38;
	[tilespmem:$0x18D80] =	vst v63  }
0x112: {  	s1 =	sadd.s32 $0x1, s1;
	_ =	swait.ge [sflag:s13], $0x4080  }
0x113: {  	p0 =	sne.s32 s1, s10;
	[sflag:s13] =	ssyncset.done $0x0  }
.Ltmp1:
0x114: {  	[sflag:s13] =	ssyncadd.s32 $0xFFFFBF80;
	(pc) =	sbr.rel @p0 .LBB2_1-.Ltmp1, $4  }
0x115: {  	[hbm4b:s11+s3] =	stream.linear.scatter [tilespmem:s15], [sflag:$0x3], $0x4080, $0x38;
	[tilespmem:$0x18D80] =	vst v63  }
0x116: {  	_ =	swait.ge [sflag:s13], $0x4080  }
0x117: {  	[sflag:s13] =	ssyncset.done $0x0  }
0x118: {  	[sflag:s13] =	ssyncadd.s32 $0xFFFFBF80  }
0x119: {  	_ =	sfence.sel $0x180000  }
0x11a: {  	[bflag:$0x0] =	sbarrier.arrive $0xFFFF  }
0x11b: {  	_ =	strace $0x90000047  }
0x11c: {  	s0 =	stileid.u32;
	[bflag:$0x2] =	sbarrier.arrive $0xFFFF  }
0x11d: {  	p0 =	sne.s32 s0, $0x0;
	s0 =	rddreg [dreg:$0x3]  }
0x11e: {  	s0 =	sadd.s32 @!p0 $0x100000, s0  }
0x11f: {  	[sflag:s0] =	ssyncadd.tile.s32 @!p0 $0x1;
	_ =	shalt  }
.Lfunc_end2:
_tile_overlayer_lowered:
.L_overlay_start_2:
0x120: {  	(tag) =	ssettag $0x2  }
0x121: {  	s0 =	rddreg [dreg:$0x0];
	s2 =	stileid.u32  }
0x122: {  	s1 =	rddreg [dreg:$0x1];
	p0 =	sne.s32 s2, $0x0  }
0x123: {  	s3 =	rddreg [dreg:$0x2];
	[bflag:$0x3] =	sbarrier.arrive $0xFFFF;
	s2 =	simm.s32 @!p0 $0x1C03  }
0x124: {  	[timem:s3], [sflag:s2] =	dma.local @!p0 [hbm:s0], s1  }
0x125: {  	s0 =	simm.s32 @!p0 $0x3  }
0x126: {  	_ =	swait.ge @!p0 [sflag:s0], s1  }
0x127: {  	s1 =	ssub.s32 @!p0 $0x0, s1;
	[sflag:s0] =	ssyncset.done @!p0 $0x0  }
0x128: {  	[sflag:s0] =	ssyncadd.s32 @!p0 s1  }
0x129: {  	[bflag:$0x3] =	sbarrier.arrive $0xFFFF  }
0x12a: {  	_ =	shalt  }

// kernel: sparse-core-data-format-call.cloned.1.call-start
scs
called_computation_lowered:
.L_overlay_start_0:
0x0: {  	s2 =	sld [smem:$0x3FD9]  }
0x1: {  	s3 =	sld [smem:$0x3FFE];
	_ =	sdelay $0x1  }
0x2: {  	s1 =	srdreg.scid  }
0x3: {  	s0 =	sand.u32 $0x1, s1  }
0x4: {  	s18 =	sshll.u32 s0, $0xA;
	s2 =	sadd.s32 s3, s2  }
0x5: {  	s2 =	sadd.s32 s2, s18  }
0x6: {  	[smem:$0x3FC6] =	sst s2  }
0x7: {  	_ = 	snop  }
0x8: {  	s2 =	sld [smem:$0x3FD0];
	(tm) =	ssettm $0x1  }
0x9: {  	s19 =	sld [smem:$0x3FFB];
	_ =	sdelay $0x3  }
0xa: {  	_ =	strace s19  }
0xb: {  	s3 =	sld [smem:$0x3FFC];
	_ =	sdelay $0x3  }
0xc: {  	_ =	strace s3  }
0xd: {  	s3 =	sld [smem:$0x3FFD];
	_ =	sdelay $0x3  }
0xe: {  	_ =	strace s3  }
0xf: {  	_ =	strace $0x8FFFFFFF  }
0x10: {  	s20 =	sld [smem:$0x3FDB];
	_ =	sdelay $0x1  }
0x11: {  	s4 =	simm.s32 $_scs_section_size  }
0x12: {  	s5 =	simm.s32 $_size__tile_overlayer_lowered;
	s6 =	simm.s32 $_tile_overlayer_lowered  }
0x13: {  	s23 =	simm.s32 $0x1BFF;
	s22 =	sshll.u32 s6, $0x1;
	s3 =	sadd.s32 s4, s20  }
0x14: {  	s7 =	simm.s32 $0x0;
	s21 =	sshll.u32 s5, $0x1;
	s5 =	sadd.s32 s22, s3  }
0x15: {  	[timem:s7], [sflag:s23] =	dma.local [hbm:s5], s21  }
0x16: {  	_ =	swait.ge [sflag:s23], s21  }
0x17: {  	s4 =	ssub.s32 $0x0, s21;
	[sflag:s23] =	ssyncset.done $0x0  }
0x18: {  	[sflag:s23] =	ssyncadd.s32 s4;
	_ =	sdelay $0x1  }
0x19: {  	s24 =	simm.s32 $0x1B8B  }
0x1a: {  	_ =	swait.ge [sflag:s24], $0x1  }
0x1b: {  	[sflag:s24] =	ssyncset.done $0x0  }
0x1c: {  	s26 =	simm.s32 $0x1B8E;
	s25 =	sld [smem:$0x3FFE];
	[sflag:s24] =	ssyncadd.s32 $0xFFFFFFFF  }
0x1d: {  	s27 =	simm.s32 $execute0_lowered;
	[smem:$0x3FD2] =	sst s26  }
0x1e: {  	s5 =	sshll.u32 s27, $0x1;
	_ =	strace $0x80000049;
	[dreg:$0x1] =	wrdreg $0xFFFFFFFF  }
0x1f: {  	s28 =	simm.s32 $_size_execute0_lowered;
	s3 =	sadd.s32 s3, s5;
	[dreg:$0x0] =	wrdreg $0x0  }
0x20: {  	s5 =	sshll.u32 s28, $0x1;
	[dreg:$0x2] =	wrdreg s3  }
0x21: {  	[dreg:$0x3] =	wrdreg s5  }
0x22: {  	[dreg:$0x4] =	wrdreg $0xC0  }
0x23: {  	_ =	task [dreg:s7], $0x5FFFF  }
0x24: {  	[dreg:$0x1] =	wrdreg $0xFFFFFFFF  }
0x25: {  	[dreg:$0x0] =	wrdreg $0x60  }
0x26: {  	[dreg:$0x2] =	wrdreg s25  }
0x27: {  	[dreg:$0x3] =	wrdreg s2  }
0x28: {  	[dreg:$0x4] =	wrdreg $0x9  }
0x29: {  	_ =	task.clear_ibuf [dreg:s7], $0x5FFFF;
	_ =	strace $0x90000049  }
0x2a: {  	s29 =	simm.s32 $0x9;
	_ =	strace $0x8000004B  }
0x2b: {  	_ =	swait.ge [sflag:s29], $0x1  }
0x2c: {  	[sflag:s29] =	ssyncadd.s32 $0xFFFFFFFF  }
0x2d: {  	_ =	strace $0x9000004B  }
0x2e: {  	_ =	sfence  }
0x2f: {  	s30 =	sld [smem:$0x0];
	_ =	sdelay $0x2  }
0x30: {  	s31 =	sshll.u32 s1, $0xD;
	s1 =	sshrl.u32 s1, $0x2  }
0x31: {  	s3 =	sand.u32 $0x4000, s31;
	s1 =	sadd.s32 s1, s30  }
0x32: {  	s0 =	sor.u32 s3, s0;
	s1 =	sshll.u32 s1, $0x11  }
0x33: {  	s0 =	sor.u32 s1, s0  }
0x34: {  	s0 =	sadd.s32 $0x8F2B, s0  }
0x35: {  	[sflag:s0] =	ssyncadd.remote.s32 $0x1  }
0x36: {  	_ =	sfence.sel $0xFFFF  }
0x37: {  	[dreg:$0x0] =	wrdreg $0xFFFFFFFF;
	(pc) =	sbr.abs _section_cstart, $3  }
0x38: {  	[dreg:$0x1] =	wrdreg $0xFFFFFFFF  }
0x39: {  	_ =	task.clear_ibuf [dreg:s7], $0x2FFFF;
	_ =	strace $0x9FFFFFFF  }
0x3a: {  	(tm) =	ssettm $0x7FFFFFFF  }
0x3b: {  	_ =	shalt  }
tec
execute0_lowered:
.L_overlay_start_1:
0x0: {  	(tag) =	ssettag $0x1  }
0x1: {  	s0 =	srdreg.scid  }
0x2: {  	s5 =	stileid.u32;
	s1 =	rddreg [dreg:$0x0]  }
0x3: {  	s2 =	rddreg [dreg:$0x1];
	_ =	strace $0x8000004A;
	s6 =	simm.s32 $0x1  }
0x4: {  	s7 =	simm.s32 $0x2;
	s16 =	simm.s32 $0x0;
	s9 =	simm.s32 $0x40000  }
0x5: {  	s10 =	simm.s32 $0x0;
	s17 =	simm.s32 $0x0;
	s0 =	sshll.u32 s0, $0x4  }
0x6: {  	s19 =	simm.s32 $0x0;
	s18 =	simm.s32 $0x0;
	s0 =	sor.u32 s5, s0  }
0x7: {  	s11 =	simm.s32 $0x0;
	s12 =	simm.s32 $0x0;
	s3 =	sand.u32 $0x18, s0  }
0x8: {  	s15 =	simm.s32 $0x0;
	s25 =	simm.s32 $0x0;
	s0 =	ssub.s32 $0x200, s3  }
.Ltmp0:
0x9: {  	s4 =	sadd.s32 $0x412E00, s1;
	s31 =	sand.u32 $0x18, s0;
	(pc) =	sbr.rel .LBB1_1-.Ltmp0, $4  }
0xa: {  	s1 =	simm.s32 $0x1;
	[sflag:s6] =	ssyncpa.u1 $0x0;
	p0 =	sne.s32 s31, $0x0  }
0xb: {  	s5 =	sand.u32 $0x7, s5;
	s0 =	sshrl.u32 s0, $0x5;
	s1 =	simm.s32 @!p0 $0x0  }
0xc: {  	[sflag:s7] =	ssyncpa.u1 $0x0;
	s14 =	smov.u32 s5;
	s0 =	sadd.s32 s1, s0  }
0xd: {  	s13 =	smov.u32 s3;
	s7 =	sshll.u32 s0, $0x1;
	s8 =	sshllo.u32 s0, $0x1  }
.LBB1_7:
0xe: {  	s0 =	sadd.s32 $0x100, s11  }
0xf: {  	s1 =	sadd.s32 $0x8, s12;
	s20 =	smov.u32 s12;
	p1 =	sgt.s32 s0, $0x1FF  }
0x10: {  	s20 =	smov.u32 @p1 s1  }
0x11: {  	s21 =	smov.u32 s13;
	s1 =	sadd.s32 $0x20, s13;
	p2 =	sgt.s32 s20, $0x7  }
0x12: {  	s21 =	smov.u32 @p2 s1  }
0x13: {  	s22 =	smov.u32 s14;
	s1 =	sadd.s32 $0x8, s14;
	p3 =	sgt.s32 s21, $0x1FF  }
0x14: {  	p0 =	slt.u32 s15, $0x2;
	s22 =	smov.u32 @p3 s1  }
0x15: {  	s16 =	smov.u32 s11;
	s0 =	simm.s32 @p1 $0x0;
	p1 =	sgt.s32 s22, $0x7  }
0x16: {  	s17 =	smov.u32 s12;
	s22 =	smov.u32 @p1 s5;
	p1 =	sne.s32 s15, s8  }
.Ltmp1:
0x17: {  	s19 =	smov.u32 s13;
	s18 =	smov.u32 s14;
	(pc) =	sbr.rel @!p1 .LBB1_8-.Ltmp1, $4  }
0x18: {  	s10 =	sadd.s32 $0x4000, s10;
	s11 =	smov.u32 s0;
	s1 =	simm.s32 @!p0 $0x2  }
0x19: {  	s20 =	simm.s32 @p2 $0x0;
	s21 =	smov.u32 @p3 s3;
	_ =	swait.ge @!p0 [sflag:s1], $0x4000  }
0x1a: {  	s12 =	smov.u32 s20;
	s13 =	smov.u32 s21;
	[sflag:s1] =	ssyncset.done @!p0 $0x0  }
0x1b: {  	s15 =	sadd.s32 $0x1, s15;
	[sflag:s1] =	ssyncadd.s32 @!p0 $0xFFFFC000;
	s14 =	smov.u32 s22  }
.LBB1_1:
0x1c: {  	p0 =	sge.u32 s15, s7  }
0x1d: {  	s31 =	sadd.s32 $0xFFFFFFFF, s15;
	s0 =	sxor.u32 @!p0 $0xFFFFFFFF, s15;
	s1 =	sshll.u32 @!p0 s11, $0x3  }
0x1e: {  	s20 =	sshll.u32 @!p0 s12, $0x7;
	s21 =	sand.u32 @!p0 $0x78, s11;
	s22 =	sshll.u32 @!p0 s14, $0x12  }
0x1f: {  	s23 =	sshll.u32 @!p0 s13, $0x9;
	s0 =	sshll.u32 @!p0 s0, $0xE;
	s20 =	sand.u32 @!p0 $0x380, s20  }
0x20: {  	s1 =	sand.u32 @!p0 $0xC00, s1;
	s0 =	sand.u32 @!p0 $0x4000, s0;
	s20 =	sor.u32 @!p0 s21, s20  }
0x21: {  	s21 =	sand.u32 @!p0 $0x7, s11;
	s1 =	sor.u32 @!p0 s1, s20;
	s20 =	sadd.s32 @!p0 s4, s22  }
0x22: {  	s21 =	sshll.u32 @!p0 s21, $0x12;
	s1 =	sshrl.u32 @!p0 s1, $0x3;
	s20 =	sadd.s32 @!p0 s23, s20  }
0x23: {  	s1 =	sadd.s32 @!p0 s1, s20;
	s20 =	sor.u32 @!p0 $0x800, s21;
	s21 =	simm.s32 @!p0 $0x1000  }
0x24: {  	[tilespmem:s0], [sflag:$0x1] =	stream.strided.gather @!p0 [hbm4b:s1+s20], $0x4000, s21, s20, $0x38;
	[tilespmem:$0x10000] =	vst v63  }
0x25: {  	p0 =	sge.u32 s31, s7  }
.Ltmp2:
0x26: {  	_ = 	snop;
	(pc) =	sbr.rel @p0 .LBB1_7-.Ltmp2, $1  }
0x27: {  	_ =	sdelay $0x3  }
0x28: {  	s0 =	sshll.u32 s10, $0x2;
	_ =	swait.ge [sflag:s6], $0x4000;
	s1 =	sshll.u32 s15, $0xE  }
0x29: {  	p0 =	por $0x0, $0x0;
	s26 =	simm.s32 $0x0;
	s27 =	simm.s32 $0x0  }
0x2a: {  	s0 =	sand.u32 $0x10000, s0;
	[sflag:s6] =	ssyncset.done $0x0;
	s23 =	sand.u32 $0x4000, s1  }
0x2b: {  	s0 =	sshrl.u32 s0, $0x2;
	[sflag:s6] =	ssyncadd.s32 $0xFFFFC000;
	s20 =	sor.u32 $0x8000, s23  }
0x2c: {  	s21 =	sor.u32 $0x40, s0;
	s22 =	sor.u32 $0x8410, s0;
	s24 =	sadd.s32 $0x8400, s0  }
.LBB1_3:
0x2d: {  	v1 =	vld [tilespmem:s21+$0xFFFFFFD0]  }
0x2e: {  	v2 =	vld [tilespmem:s21+$0x430]  }
0x2f: {  	s0 =	sshll.u32 s27, $0xB;
	v4 =	vld [tilespmem:s21+$0xFFFFFFE0]  }
0x30: {  	v7 =	vld [tilespmem:s21+$0xFFFFFFF0];
	v0 =	vmov s0  }
0x31: {  	v8 =	vld [tilespmem:s21+$0x0]  }
0x32: {  	v9 =	vld [tilespmem:s21+$0x10];
	s0 =	sand.u32 $0x300, s25  }
0x33: {  	s1 =	sand.u32 $0x80, s25;
	v10 =	vld [tilespmem:s21+$0x20];
	s0 =	sadd.s32 s0, s23  }
0x34: {  	v11 =	vld [tilespmem:s21+$0x30];
	s0 =	sadd.s32 s1, s0;
	s1 =	simm.s32 $0x1;
	[tilespmem:s22+$0x60] =	vst v2  }
0x35: {  	s1 =	simm.s32 @!p0 $0x0;
	[tilespmem:s22+$0xFFFFFC00] =	vst v1;
	v3 =	vld.idx.msk [tilespmem:v0+s0+$0x400 ss:$0x1], $0xffff;
	s0 =	sshll.u32 s26, $0x2  }
0x36: {  	v6 =	vld [tilespmem:s21+$0x3D0];
	s1 =	sshll.u32 s1, $0x9;
	[tilespmem:s22+$0xFFFFFC10] =	vst v4;
	s0 =	sand.u32 $0xFFFFFC00, s0  }
0x37: {  	v5 =	vld [tilespmem:s21+$0x3E0];
	[tilespmem:s22+$0xFFFFFC20] =	vst v7;
	s0 =	sor.u32 s1, s0  }
0x38: {  	[tilespmem:s22+$0xFFFFFC30] =	vst v8;
	v4 =	vld [tilespmem:s21+$0x400];
	s0 =	sshrl.u32 s0, $0x2  }
0x39: {  	[tilespmem:s22+$0xFFFFFC40] =	vst v9;
	v1 =	vld [tilespmem:s21+$0x410];
	s28 =	sadd.s32 s0, s24  }
0x3a: {  	[tilespmem:s28+$0x0] =	vst v3;
	v3 =	vld [tilespmem:s21+$0x3F0]  }
0x3b: {  	s31 =	simm.s32 $0x100;
	[tilespmem:s22+$0xFFFFFC50] =	vst v10;
	v2 =	vld [tilespmem:s21+$0x420];
	s1 =	simm.s32 $0x80  }
0x3c: {  	s29 =	sadd.s32 $0x80, s21;
	s30 =	smov.u32 s22;
	v7 =	vld [tilespmem:s21+$0xFFFFFFC0];
	[tilespmem:s22+$0xFFFFFC60] =	vst v11;
	s0 =	sand.u32 $0x300, s1  }
.LBB1_4:
0x3d: {  	p1 =	sne.s32 s31, $0x380;
	v8 =	vld [tilespmem:s29+$0xFFFFFFD0];
	s1 =	sand.u32 $0x80, s1;
	s0 =	sadd.s32 s0, s23;
	[tilespmem:s30+$0x0] =	vst v6  }
0x3e: {  	s0 =	sadd.s32 s1, s0;
	v6 =	vld [tilespmem:s29+$0x430];
	[tilespmem:s30+$0x10] =	vst v5;
	s1 =	smov.u32 s31  }
0x3f: {  	v5 =	vld.idx.msk [tilespmem:v0+s0+$0x400 ss:$0x1], $0xffff;
	[tilespmem:s30+$0x20] =	vst v3  }
0x40: {  	v3 =	vld [tilespmem:s29+$0xFFFFFFE0];
	[tilespmem:s30+$0x30] =	vst v4  }
0x41: {  	v4 =	vld [tilespmem:s29+$0xFFFFFFF0];
	[tilespmem:s30+$0xFFFFFBF0] =	vst v7  }
0x42: {  	v7 =	vld [tilespmem:s29+$0x0];
	[tilespmem:s30+$0x40] =	vst v1  }
0x43: {  	v1 =	vld [tilespmem:s29+$0x10];
	[tilespmem:s30+$0x50] =	vst v2;
	s30 =	sadd.s32 $0x800, s30  }
0x44: {  	s28 =	sadd.s32 $0x800, s28;
	v2 =	vld [tilespmem:s29+$0x20];
	[tilespmem:s30+$0x60] =	vst v6  }
0x45: {  	v9 =	vld [tilespmem:s29+$0x30];
	[tilespmem:s28+$0x0] =	vst v5  }
0x46: {  	[tilespmem:s30+$0xFFFFFC00] =	vst v8;
	v6 =	vld [tilespmem:s29+$0x3D0]  }
0x47: {  	[tilespmem:s30+$0xFFFFFC10] =	vst v3;
	v5 =	vld [tilespmem:s29+$0x3E0]  }
.Ltmp3:
0x48: {  	[tilespmem:s30+$0xFFFFFC20] =	vst v4;
	v3 =	vld [tilespmem:s29+$0x3F0];
	(pc) =	sbr.rel @p1 .LBB1_4-.Ltmp3, $4  }
0x49: {  	[tilespmem:s30+$0xFFFFFC30] =	vst v7;
	v4 =	vld [tilespmem:s29+$0x400]  }
0x4a: {  	[tilespmem:s30+$0xFFFFFC40] =	vst v1;
	v1 =	vld [tilespmem:s29+$0x410]  }
0x4b: {  	[tilespmem:s30+$0xFFFFFC50] =	vst v2;
	v2 =	vld [tilespmem:s29+$0x420]  }
0x4c: {  	s31 =	sadd.s32 $0x80, s31;
	s0 =	sand.u32 $0x300, s1;
	v7 =	vld [tilespmem:s29+$0xFFFFFFC0];
	[tilespmem:s30+$0xFFFFFC60] =	vst v9;
	s29 =	sadd.s32 $0x80, s29  }
0x4d: {  	[tilespmem:s30+$0x0] =	vst v6  }
0x4e: {  	[tilespmem:s30+$0x10] =	vst v5  }
0x4f: {  	v49 =	vld [tilespmem:s29+$0x430];
	[tilespmem:s30+$0x20] =	vst v3  }
0x50: {  	v50 =	vld [tilespmem:s29+$0xFFFFFFD0];
	[tilespmem:s30+$0x30] =	vst v4  }
0x51: {  	v51 =	vld [tilespmem:s29+$0xFFFFFFE0];
	[tilespmem:s30+$0x40] =	vst v1  }
0x52: {  	v52 =	vld [tilespmem:s29+$0xFFFFFFF0];
	[tilespmem:s30+$0x50] =	vst v2  }
0x53: {  	v53 =	vld [tilespmem:s29+$0x0];
	[tilespmem:s30+$0xFFFFFBF0] =	vst v7;
	s30 =	sadd.s32 $0x800, s30  }
0x54: {  	v54 =	vld [tilespmem:s29+$0x10];
	[tilespmem:s30+$0x60] =	vst v49  }
0x55: {  	v55 =	vld [tilespmem:s29+$0x20];
	[tilespmem:s30+$0xFFFFFC00] =	vst v50  }
0x56: {  	v56 =	vld [tilespmem:s29+$0x30];
	[tilespmem:s30+$0xFFFFFC10] =	vst v51  }
0x57: {  	v57 =	vld [tilespmem:s29+$0x3D0];
	[tilespmem:s30+$0xFFFFFC20] =	vst v52  }
0x58: {  	v58 =	vld [tilespmem:s29+$0x3E0];
	[tilespmem:s30+$0xFFFFFC30] =	vst v53  }
0x59: {  	v59 =	vld [tilespmem:s29+$0x3F0];
	[tilespmem:s30+$0xFFFFFC40] =	vst v54  }
0x5a: {  	v60 =	vld [tilespmem:s29+$0x400];
	[tilespmem:s30+$0xFFFFFC50] =	vst v55  }
0x5b: {  	v61 =	vld [tilespmem:s29+$0xFFFFFFC0];
	[tilespmem:s30+$0xFFFFFC60] =	vst v56  }
0x5c: {  	s1 =	sand.u32 $0x80, s1;
	s0 =	sadd.s32 s0, s23;
	v62 =	vld [tilespmem:s29+$0x410];
	[tilespmem:s30+$0x0] =	vst v57  }
0x5d: {  	v63 =	vld [tilespmem:s29+$0x420];
	s27 =	sadd.s32 $0x1, s27;
	s0 =	sadd.s32 s1, s0;
	[tilespmem:s30+$0x10] =	vst v58  }
0x5e: {  	p1 =	sne.s32 s27, $0x8;
	v0 =	vld.idx.msk [tilespmem:v0+s0+$0x400 ss:$0x1], $0xffff;
	[tilespmem:s30+$0x20] =	vst v59  }
.Ltmp4:
0x5f: {  	[tilespmem:s30+$0x30] =	vst v60;
	(pc) =	sbr.rel @p1 .LBB1_3-.Ltmp4, $4  }
0x60: {  	[tilespmem:s30+$0xFFFFFBF0] =	vst v61  }
0x61: {  	[tilespmem:s30+$0x40] =	vst v62  }
0x62: {  	s31 =	sadd.s32 $0x800, s28;
	s21 =	sadd.s32 $0x800, s21;
	[tilespmem:s30+$0x50] =	vst v63  }
0x63: {  	s26 =	sadd.s32 $0x80, s26;
	p0 =	por !p0, !p0;
	s22 =	sadd.s32 $0x80, s22;
	[tilespmem:s31+$0x0] =	vst v0  }
0x64: {  	s0 =	sand.u32 $0x78, s16  }
0x65: {  	s1 =	sshll.u32 s19, $0x9;
	s21 =	sshll.u32 s16, $0x3;
	s28 =	sshll.u32 s19, $0x7  }
0x66: {  	s18 =	sshll.u32 s18, $0x12;
	s17 =	sshll.u32 s17, $0xF;
	s30 =	sand.u32 $0x7, s16  }
0x67: {  	s1 =	sand.u32 $0x3F000, s1;
	s21 =	sand.u32 $0x3FC00, s21;
	s29 =	sand.u32 $0x200, s28  }
0x68: {  	s19 =	sand.u32 $0x180, s28;
	s18 =	sadd.s32 s2, s18;
	s1 =	sadd.s32 s1, s21  }
.Ltmp5:
0x69: {  	s0 =	sor.u32 s19, s0;
	s1 =	sor.u32 s29, s1;
	(pc) =	sbr.rel .LBB1_7-.Ltmp5, $4  }
0x6a: {  	s17 =	sadd.s32 s17, s18;
	s0 =	sshrl.u32 s0, $0x3;
	s1 =	sshrl.u32 s1, $0x3  }
0x6b: {  	s16 =	sshll.u32 s30, $0x12;
	s0 =	sadd.s32 s0, s17;
	s1 =	sand.u32 $0x7FC0, s1  }
0x6c: {  	s31 =	sor.u32 $0x800, s16;
	s0 =	sadd.s32 s1, s0  }
0x6d: {  	[hbm4b:s0+s31] =	stream.strided.scatter [tilespmem:s20], [sflag:$0x2], $0x4000, s9, s31, $0x38;
	[tilespmem:$0x10000] =	vst v63  }
.LBB1_8:
0x6e: {  	_ =	sfence.sel $0x180000  }
0x6f: {  	s0 =	simm.s32 $0x1;
	[bflag:$0x0] =	sbarrier.arrive $0xFFFF  }
0x70: {  	s30 =	simm.s32 $0x2;
	[sflag:s0] =	ssyncpa.u1 $0x1  }
0x71: {  	[sflag:s30] =	ssyncpa.u1 $0x1  }
0x72: {  	_ =	strace $0x9000004A  }
0x73: {  	s31 =	stileid.u32;
	[bflag:$0x2] =	sbarrier.arrive $0xFFFF  }
0x74: {  	p0 =	sne.s32 s31, $0x0;
	s0 =	rddreg [dreg:$0x2]  }
0x75: {  	s0 =	sadd.s32 @!p0 $0x100000, s0  }
0x76: {  	[sflag:s0] =	ssyncadd.tile.s32 @!p0 $0x1;
	_ =	shalt  }
.Lfunc_end1:
_tile_overlayer_lowered:
.L_overlay_start_2:
0x77: {  	(tag) =	ssettag $0x2  }
0x78: {  	s0 =	rddreg [dreg:$0x0];
	s2 =	stileid.u32  }
0x79: {  	s1 =	rddreg [dreg:$0x1];
	p0 =	sne.s32 s2, $0x0  }
0x7a: {  	s3 =	rddreg [dreg:$0x2];
	[bflag:$0x3] =	sbarrier.arrive $0xFFFF;
	s2 =	simm.s32 @!p0 $0x1C01  }
0x7b: {  	[timem:s3], [sflag:s2] =	dma.local @!p0 [hbm:s0], s1  }
0x7c: {  	s0 =	simm.s32 @!p0 $0x1  }
0x7d: {  	_ =	swait.ge @!p0 [sflag:s0], s1  }
0x7e: {  	s1 =	ssub.s32 @!p0 $0x0, s1;
	[sflag:s0] =	ssyncset.done @!p0 $0x0  }
0x7f: {  	[sflag:s0] =	ssyncadd.s32 @!p0 s1  }
0x80: {  	[bflag:$0x3] =	sbarrier.arrive $0xFFFF  }
0x81: {  	_ =	shalt  }

</sc_bundles>
